<compile_context>
chip_gen: v7x
topology: tpu7x:2x2x1
jax: 0.10.2.dev20260603
libtpu: 0.0.44.dev20260713+nightly
codegen_flags: <defaults>
</compile_context>

<pallas_src>
import functools

import jax
import jax.numpy as jnp
from jax import lax
from jax.experimental import pallas as pl
from jax.experimental.pallas import tpu as pltpu
from jax.experimental.pallas import tpu_sc as plsc

B = 1024
D = 1024
DFF = 1024
E = 8
K = 2
GH = 512
CH = 512
OUT = 3

NW = 32
CHUNK = B // NW


def _gating_body(x_ref, Wg1_ref, bg1_ref, Wg2_ref, bg2_ref,
                 probs_ref, probsT_ref):
    h = jnp.maximum(
        jnp.dot(x_ref[...], Wg1_ref[...], preferred_element_type=jnp.float32)
        + bg1_ref[...],
        0.0,
    )
    logits = (
        jnp.dot(h, Wg2_ref[...], preferred_element_type=jnp.float32)
        + bg2_ref[...]
    )
    m = jnp.max(logits, axis=1, keepdims=True)
    ex = jnp.exp(logits - m)
    probs = ex / jnp.sum(ex, axis=1, keepdims=True)
    probs_ref[...] = probs
    probsT_ref[...] = jnp.transpose(probs)


@functools.cache
def _get_route():
    mesh = plsc.VectorSubcoreMesh(core_axis_name="c", subcore_axis_name="s",
                                  num_cores=1)
    RCHUNK = B // 16

    @functools.partial(
        pl.kernel,
        out_type=jax.ShapeDtypeStruct((E * B,), jnp.float32),
        mesh=mesh,
        scratch_types=[
            pltpu.VMEM((E, RCHUNK), jnp.float32),
            pltpu.VMEM((E, RCHUNK), jnp.float32),
            pltpu.SemaphoreType.DMA,
            pltpu.SemaphoreType.DMA,
        ],
    )
    def _route(probsT_hbm, wt_hbm, pv_v, wt_v, sem, osem):
        wid = lax.axis_index("s") + lax.axis_index("c") * 16
        base = wid * RCHUNK
        cps = [
            pltpu.async_copy(probsT_hbm.at[pl.ds(e * B + base, RCHUNK)],
                             pv_v.at[e], sem)
            for e in range(E)
        ]
        for cp in cps:
            cp.wait()
        for h in range(RCHUNK // 16):
            sl = pl.ds(h * 16, 16)
            pe = [pv_v[e, sl] for e in range(E)]
            m1 = pe[0]
            for e in range(1, E):
                m1 = jnp.maximum(m1, pe[e])
            i1 = jnp.full((16,), E, jnp.int32)
            for e in range(E - 1, -1, -1):
                i1 = jnp.where(pe[e] == m1, e, i1)
            pm = [jnp.where(i1 == e, -1.0, pe[e]) for e in range(E)]
            m2 = pm[0]
            for e in range(1, E):
                m2 = jnp.maximum(m2, pm[e])
            i2 = jnp.full((16,), E, jnp.int32)
            for e in range(E - 1, -1, -1):
                i2 = jnp.where(pm[e] == m2, e, i2)
            for e in range(E):
                wt_v[e, sl] = (jnp.where(i1 == e, m1, 0.0)
                               + jnp.where(i2 == e, m2, 0.0))
        ocps = [
            pltpu.async_copy(wt_v.at[e],
                             wt_hbm.at[pl.ds(e * B + base, RCHUNK)], osem)
            for e in range(E)
        ]
        for cp in ocps:
            cp.wait()

    return _route


def _moe_body(x_ref, We1_ref, be1_ref, We2_ref, be2_ref, wT_ref,
              Wc1_ref, bc1_ref, Wc2_ref, bc2_ref, out_ref, acc_ref):
    e = pl.program_id(0)
    h = jnp.maximum(
        jnp.dot(x_ref[...], We1_ref[0], preferred_element_type=jnp.float32)
        + be1_ref[0],
        0.0,
    )
    y = (
        jnp.dot(h, We2_ref[0], preferred_element_type=jnp.float32)
        + be2_ref[0]
    )
    ee = lax.broadcasted_iota(jnp.int32, (E, B), 0)
    row = jnp.sum(jnp.where(ee == e, wT_ref[...], 0.0), axis=0,
                  keepdims=True)
    contrib = jnp.transpose(row) * y

    @pl.when(e == 0)
    def _():
        acc_ref[...] = contrib

    @pl.when(e != 0)
    def _():
        acc_ref[...] += contrib

    @pl.when(e == E - 1)
    def _():
        hc = jnp.maximum(
            jnp.dot(acc_ref[...], Wc1_ref[...],
                    preferred_element_type=jnp.float32)
            + bc1_ref[...],
            0.0,
        )
        out_ref[...] = (
            jnp.dot(hc, Wc2_ref[...], preferred_element_type=jnp.float32)
            + bc2_ref[...]
        )


def kernel(x, Wg1, bg1, Wg2, bg2, We1, be1, We2, be2, Wc1, bc1, Wc2, bc2):
    probs, probsT = pl.pallas_call(
        _gating_body,
        out_shape=(
            jax.ShapeDtypeStruct((B, E), jnp.float32),
            jax.ShapeDtypeStruct((E, B), jnp.float32),
        ),
    )(x, Wg1, bg1.reshape(1, GH), Wg2, bg2.reshape(1, E))

    wT = _get_route()(probsT.reshape(E * B)).reshape(E, B)

    logits = pl.pallas_call(
        _moe_body,
        grid=(E,),
        in_specs=[
            pl.BlockSpec((B, D), lambda e: (0, 0)),
            pl.BlockSpec((1, D, DFF), lambda e: (e, 0, 0)),
            pl.BlockSpec((1, 1, DFF), lambda e: (e, 0, 0)),
            pl.BlockSpec((1, DFF, D), lambda e: (e, 0, 0)),
            pl.BlockSpec((1, 1, D), lambda e: (e, 0, 0)),
            pl.BlockSpec((E, B), lambda e: (0, 0)),
            pl.BlockSpec((D, CH), lambda e: (0, 0)),
            pl.BlockSpec((1, CH), lambda e: (0, 0)),
            pl.BlockSpec((CH, OUT), lambda e: (0, 0)),
            pl.BlockSpec((1, OUT), lambda e: (0, 0)),
        ],
        out_specs=pl.BlockSpec((B, OUT), lambda e: (0, 0)),
        out_shape=jax.ShapeDtypeStruct((B, OUT), jnp.float32),
        scratch_shapes=[pltpu.VMEM((B, D), jnp.float32)],
    )(x, We1, be1.reshape(E, 1, DFF), We2, be2.reshape(E, 1, D), wT,
      Wc1, bc1.reshape(1, CH), Wc2, bc2.reshape(1, OUT))

    return (logits, probs)

# --- scband reference (transcript-rebuilt; emitter-appended) ---
"""Pipeline reference for scband-mo-econtradiction-classifier-44229573214574 (READ-ONLY COPY).

The authoritative reference and input builder live on the scoring server;
editing this copy changes nothing except your own understanding.
"""

import jax, jax.numpy as jnp
import numpy as np

B = 1024
D = 1024
DFF = 1024
E = 8
K = 2
GH = 512
CH = 512
OUT = 3


def setup_inputs(seed: int = 0) -> dict:
    key = jax.random.key(seed)
    ks = jax.random.split(key, 13)

    def w(k, shape, fan_in):
        return jax.random.normal(k, shape, dtype=jnp.float32) * (1.0 / np.sqrt(fan_in))

    return {
        "x": jax.random.normal(ks[0], (B, D), dtype=jnp.float32),
        "Wg1": w(ks[1], (D, GH), D),
        "bg1": jnp.zeros((GH,), jnp.float32),
        "Wg2": w(ks[2], (GH, E), GH),
        "bg2": jnp.zeros((E,), jnp.float32),
        "We1": w(ks[3], (E, D, DFF), D),
        "be1": jnp.zeros((E, DFF), jnp.float32),
        "We2": w(ks[4], (E, DFF, D), DFF),
        "be2": jnp.zeros((E, D), jnp.float32),
        "Wc1": w(ks[5], (D, CH), D),
        "bc1": jnp.zeros((CH,), jnp.float32),
        "Wc2": w(ks[6], (CH, OUT), CH),
        "bc2": jnp.zeros((OUT,), jnp.float32),
    }


def reference(x, Wg1, bg1, Wg2, bg2, We1, be1, We2, be2, Wc1, bc1, Wc2, bc2):
    b = x.shape[0]
    d = x.shape[1]
    # SparseGatingNetwork: MLP -> softmax
    h = jax.nn.relu(x @ Wg1 + bg1)
    gate_logits = h @ Wg2 + bg2
    gating_probs = jax.nn.softmax(gate_logits, axis=-1)
    # top-k expert selection
    top_k_probs, top_k_idx = jax.lax.top_k(gating_probs, K)
    flat_idx = top_k_idx.reshape(-1)                     # (b*K,)
    flat_x = jnp.repeat(x, K, axis=0)                    # (b*K, d)  repeat_interleave
    # dispatch: run each expert FFN on its assigned tokens (mask-combine, faithful math)
    expert_cls = jnp.zeros((b * K, d), dtype=x.dtype)
    for e in range(E):
        mask = (flat_idx == e)
        ye = jax.nn.relu(flat_x @ We1[e] + be1[e]) @ We2[e] + be2[e]
        expert_cls = jnp.where(mask[:, None], ye, expert_cls)
    expert_cls = expert_cls.reshape(b, K, d)
    # gate-weighted combine of expert CLS embeddings
    combined = (top_k_probs[..., None] * expert_cls).sum(axis=1)
    # classifier head
    hc = jax.nn.relu(combined @ Wc1 + bc1)
    logits = hc @ Wc2 + bc2
    return (logits, gating_probs)

if __name__ == "__main__":
    import jax
    _d = setup_inputs()
    print(jax.jit(kernel)(*tuple(_d.values())))

</pallas_src>

<mosaic_0001>
#map = affine_map<(d0, d1) -> (0)>
module attributes {stable_mosaic.version = 14 : i64} {
  func.func @_route(%arg0: i32, %arg1: i32, %arg2: memref<8192xf32, #tpu.memory_space<hbm>>, %arg3: memref<8192xf32, #tpu.memory_space<hbm>>, %arg4: memref<8x64xf32, #tpu.memory_space<vmem>>, %arg5: memref<8x64xf32, #tpu.memory_space<vmem>>, %arg6: memref<!tpu.dma_semaphore, #tpu.memory_space<semaphore_mem>>, %arg7: memref<!tpu.dma_semaphore, #tpu.memory_space<semaphore_mem>>) attributes {dimension_semantics = [#tpu.dimension_semantics<core_parallel>, #tpu.dimension_semantics<subcore_parallel>], iteration_bounds = array<i64: 1, 16>, scalar_prefetch = 0 : i64, scratch_operands = 4 : i64, tpu.core_type = #tpu.core_type<sc_vector_subcore>, window_params = [{transform_indices = #map}, {transform_indices = #map}]} {
    %mul3A = arith.constant 16 : i32
    %mul3A_0 = arith.muli %arg0, %mul3A : i32
    %add3A = arith.addi %arg1, %mul3A_0 : i32
    %mul3A_1 = arith.constant 64 : i32
    %mul3A_2 = arith.muli %add3A, %mul3A_1 : i32
    %add3A_3 = arith.constant 0 : i32
    %add3A_4 = arith.addi %add3A_3, %mul3A_2 : i32
    %dma_start3A = arith.constant 0 : i32
    %dma_start3A_5 = arith.constant 0 : i32
    %dma_start3A_6 = tpu.memref_slice %arg4[%dma_start3A, %dma_start3A_5] : memref<8x64xf32, #tpu.memory_space<vmem>> -> memref<1x64xf32, #tpu.memory_space<vmem>>
    %dma_start3A_7 = tpu.memref_squeeze %dma_start3A_6 : memref<1x64xf32, #tpu.memory_space<vmem>> -> memref<64xf32, #tpu.memory_space<vmem>>
    %dma_start3A_8 = tpu.memref_slice %arg2[%add3A_4] : memref<8192xf32, #tpu.memory_space<hbm>> -> memref<64xf32, #tpu.memory_space<hbm>>
    %dma_start3A_9 = arith.constant 0 : i32
    %dma_start3A_10 = tpu.memref_slice %arg4[%dma_start3A, %dma_start3A_9] : memref<8x64xf32, #tpu.memory_space<vmem>> -> memref<1x64xf32, #tpu.memory_space<vmem>>
    %dma_start3A_11 = tpu.memref_squeeze %dma_start3A_10 : memref<1x64xf32, #tpu.memory_space<vmem>> -> memref<64xf32, #tpu.memory_space<vmem>>
    %dma_start3A_12 = tpu.memref_slice %arg2[%add3A_4] : memref<8192xf32, #tpu.memory_space<hbm>> -> memref<64xf32, #tpu.memory_space<hbm>>
    tpu.enqueue_dma source(%dma_start3A_12 : memref<64xf32, #tpu.memory_space<hbm>>) target(%dma_start3A_11 : memref<64xf32, #tpu.memory_space<vmem>>) target_semaphore(%arg6 : memref<!tpu.dma_semaphore, #tpu.memory_space<semaphore_mem>>)
    %add3A_13 = arith.constant 1024 : i32
    %add3A_14 = arith.addi %add3A_13, %mul3A_2 : i32
    %dma_start3A_15 = arith.constant 1 : i32
    %dma_start3A_16 = arith.constant 0 : i32
    %dma_start3A_17 = tpu.memref_slice %arg4[%dma_start3A_15, %dma_start3A_16] : memref<8x64xf32, #tpu.memory_space<vmem>> -> memref<1x64xf32, #tpu.memory_space<vmem>>
    %dma_start3A_18 = tpu.memref_squeeze %dma_start3A_17 : memref<1x64xf32, #tpu.memory_space<vmem>> -> memref<64xf32, #tpu.memory_space<vmem>>
    %dma_start3A_19 = tpu.memref_slice %arg2[%add3A_14] : memref<8192xf32, #tpu.memory_space<hbm>> -> memref<64xf32, #tpu.memory_space<hbm>>
    %dma_start3A_20 = arith.constant 0 : i32
    %dma_start3A_21 = tpu.memref_slice %arg4[%dma_start3A_15, %dma_start3A_20] : memref<8x64xf32, #tpu.memory_space<vmem>> -> memref<1x64xf32, #tpu.memory_space<vmem>>
    %dma_start3A_22 = tpu.memref_squeeze %dma_start3A_21 : memref<1x64xf32, #tpu.memory_space<vmem>> -> memref<64xf32, #tpu.memory_space<vmem>>
    %dma_start3A_23 = tpu.memref_slice %arg2[%add3A_14] : memref<8192xf32, #tpu.memory_space<hbm>> -> memref<64xf32, #tpu.memory_space<hbm>>
    tpu.enqueue_dma source(%dma_start3A_23 : memref<64xf32, #tpu.memory_space<hbm>>) target(%dma_start3A_22 : memref<64xf32, #tpu.memory_space<vmem>>) target_semaphore(%arg6 : memref<!tpu.dma_semaphore, #tpu.memory_space<semaphore_mem>>)
    %add3A_24 = arith.constant 2048 : i32
    %add3A_25 = arith.addi %add3A_24, %mul3A_2 : i32
    %dma_start3A_26 = arith.constant 2 : i32
    %dma_start3A_27 = arith.constant 0 : i32
    %dma_start3A_28 = tpu.memref_slice %arg4[%dma_start3A_26, %dma_start3A_27] : memref<8x64xf32, #tpu.memory_space<vmem>> -> memref<1x64xf32, #tpu.memory_space<vmem>>
    %dma_start3A_29 = tpu.memref_squeeze %dma_start3A_28 : memref<1x64xf32, #tpu.memory_space<vmem>> -> memref<64xf32, #tpu.memory_space<vmem>>
    %dma_start3A_30 = tpu.memref_slice %arg2[%add3A_25] : memref<8192xf32, #tpu.memory_space<hbm>> -> memref<64xf32, #tpu.memory_space<hbm>>
    %dma_start3A_31 = arith.constant 0 : i32
    %dma_start3A_32 = tpu.memref_slice %arg4[%dma_start3A_26, %dma_start3A_31] : memref<8x64xf32, #tpu.memory_space<vmem>> -> memref<1x64xf32, #tpu.memory_space<vmem>>
    %dma_start3A_33 = tpu.memref_squeeze %dma_start3A_32 : memref<1x64xf32, #tpu.memory_space<vmem>> -> memref<64xf32, #tpu.memory_space<vmem>>
    %dma_start3A_34 = tpu.memref_slice %arg2[%add3A_25] : memref<8192xf32, #tpu.memory_space<hbm>> -> memref<64xf32, #tpu.memory_space<hbm>>
    tpu.enqueue_dma source(%dma_start3A_34 : memref<64xf32, #tpu.memory_space<hbm>>) target(%dma_start3A_33 : memref<64xf32, #tpu.memory_space<vmem>>) target_semaphore(%arg6 : memref<!tpu.dma_semaphore, #tpu.memory_space<semaphore_mem>>)
    %add3A_35 = arith.constant 3072 : i32
    %add3A_36 = arith.addi %add3A_35, %mul3A_2 : i32
    %dma_start3A_37 = arith.constant 3 : i32
    %dma_start3A_38 = arith.constant 0 : i32
    %dma_start3A_39 = tpu.memref_slice %arg4[%dma_start3A_37, %dma_start3A_38] : memref<8x64xf32, #tpu.memory_space<vmem>> -> memref<1x64xf32, #tpu.memory_space<vmem>>
    %dma_start3A_40 = tpu.memref_squeeze %dma_start3A_39 : memref<1x64xf32, #tpu.memory_space<vmem>> -> memref<64xf32, #tpu.memory_space<vmem>>
    %dma_start3A_41 = tpu.memref_slice %arg2[%add3A_36] : memref<8192xf32, #tpu.memory_space<hbm>> -> memref<64xf32, #tpu.memory_space<hbm>>
    %dma_start3A_42 = arith.constant 0 : i32
    %dma_start3A_43 = tpu.memref_slice %arg4[%dma_start3A_37, %dma_start3A_42] : memref<8x64xf32, #tpu.memory_space<vmem>> -> memref<1x64xf32, #tpu.memory_space<vmem>>
    %dma_start3A_44 = tpu.memref_squeeze %dma_start3A_43 : memref<1x64xf32, #tpu.memory_space<vmem>> -> memref<64xf32, #tpu.memory_space<vmem>>
    %dma_start3A_45 = tpu.memref_slice %arg2[%add3A_36] : memref<8192xf32, #tpu.memory_space<hbm>> -> memref<64xf32, #tpu.memory_space<hbm>>
    tpu.enqueue_dma source(%dma_start3A_45 : memref<64xf32, #tpu.memory_space<hbm>>) target(%dma_start3A_44 : memref<64xf32, #tpu.memory_space<vmem>>) target_semaphore(%arg6 : memref<!tpu.dma_semaphore, #tpu.memory_space<semaphore_mem>>)
    %add3A_46 = arith.constant 4096 : i32
    %add3A_47 = arith.addi %add3A_46, %mul3A_2 : i32
    %dma_start3A_48 = arith.constant 4 : i32
    %dma_start3A_49 = arith.constant 0 : i32
    %dma_start3A_50 = tpu.memref_slice %arg4[%dma_start3A_48, %dma_start3A_49] : memref<8x64xf32, #tpu.memory_space<vmem>> -> memref<1x64xf32, #tpu.memory_space<vmem>>
    %dma_start3A_51 = tpu.memref_squeeze %dma_start3A_50 : memref<1x64xf32, #tpu.memory_space<vmem>> -> memref<64xf32, #tpu.memory_space<vmem>>
    %dma_start3A_52 = tpu.memref_slice %arg2[%add3A_47] : memref<8192xf32, #tpu.memory_space<hbm>> -> memref<64xf32, #tpu.memory_space<hbm>>
    %dma_start3A_53 = arith.constant 0 : i32
    %dma_start3A_54 = tpu.memref_slice %arg4[%dma_start3A_48, %dma_start3A_53] : memref<8x64xf32, #tpu.memory_space<vmem>> -> memref<1x64xf32, #tpu.memory_space<vmem>>
    %dma_start3A_55 = tpu.memref_squeeze %dma_start3A_54 : memref<1x64xf32, #tpu.memory_space<vmem>> -> memref<64xf32, #tpu.memory_space<vmem>>
    %dma_start3A_56 = tpu.memref_slice %arg2[%add3A_47] : memref<8192xf32, #tpu.memory_space<hbm>> -> memref<64xf32, #tpu.memory_space<hbm>>
    tpu.enqueue_dma source(%dma_start3A_56 : memref<64xf32, #tpu.memory_space<hbm>>) target(%dma_start3A_55 : memref<64xf32, #tpu.memory_space<vmem>>) target_semaphore(%arg6 : memref<!tpu.dma_semaphore, #tpu.memory_space<semaphore_mem>>)
    %add3A_57 = arith.constant 5120 : i32
    %add3A_58 = arith.addi %add3A_57, %mul3A_2 : i32
    %dma_start3A_59 = arith.constant 5 : i32
    %dma_start3A_60 = arith.constant 0 : i32
    %dma_start3A_61 = tpu.memref_slice %arg4[%dma_start3A_59, %dma_start3A_60] : memref<8x64xf32, #tpu.memory_space<vmem>> -> memref<1x64xf32, #tpu.memory_space<vmem>>
    %dma_start3A_62 = tpu.memref_squeeze %dma_start3A_61 : memref<1x64xf32, #tpu.memory_space<vmem>> -> memref<64xf32, #tpu.memory_space<vmem>>
    %dma_start3A_63 = tpu.memref_slice %arg2[%add3A_58] : memref<8192xf32, #tpu.memory_space<hbm>> -> memref<64xf32, #tpu.memory_space<hbm>>
    %dma_start3A_64 = arith.constant 0 : i32
    %dma_start3A_65 = tpu.memref_slice %arg4[%dma_start3A_59, %dma_start3A_64] : memref<8x64xf32, #tpu.memory_space<vmem>> -> memref<1x64xf32, #tpu.memory_space<vmem>>
    %dma_start3A_66 = tpu.memref_squeeze %dma_start3A_65 : memref<1x64xf32, #tpu.memory_space<vmem>> -> memref<64xf32, #tpu.memory_space<vmem>>
    %dma_start3A_67 = tpu.memref_slice %arg2[%add3A_58] : memref<8192xf32, #tpu.memory_space<hbm>> -> memref<64xf32, #tpu.memory_space<hbm>>
    tpu.enqueue_dma source(%dma_start3A_67 : memref<64xf32, #tpu.memory_space<hbm>>) target(%dma_start3A_66 : memref<64xf32, #tpu.memory_space<vmem>>) target_semaphore(%arg6 : memref<!tpu.dma_semaphore, #tpu.memory_space<semaphore_mem>>)
    %add3A_68 = arith.constant 6144 : i32
    %add3A_69 = arith.addi %add3A_68, %mul3A_2 : i32
    %dma_start3A_70 = arith.constant 6 : i32
    %dma_start3A_71 = arith.constant 0 : i32
    %dma_start3A_72 = tpu.memref_slice %arg4[%dma_start3A_70, %dma_start3A_71] : memref<8x64xf32, #tpu.memory_space<vmem>> -> memref<1x64xf32, #tpu.memory_space<vmem>>
    %dma_start3A_73 = tpu.memref_squeeze %dma_start3A_72 : memref<1x64xf32, #tpu.memory_space<vmem>> -> memref<64xf32, #tpu.memory_space<vmem>>
    %dma_start3A_74 = tpu.memref_slice %arg2[%add3A_69] : memref<8192xf32, #tpu.memory_space<hbm>> -> memref<64xf32, #tpu.memory_space<hbm>>
    %dma_start3A_75 = arith.constant 0 : i32
    %dma_start3A_76 = tpu.memref_slice %arg4[%dma_start3A_70, %dma_start3A_75] : memref<8x64xf32, #tpu.memory_space<vmem>> -> memref<1x64xf32, #tpu.memory_space<vmem>>
    %dma_start3A_77 = tpu.memref_squeeze %dma_start3A_76 : memref<1x64xf32, #tpu.memory_space<vmem>> -> memref<64xf32, #tpu.memory_space<vmem>>
    %dma_start3A_78 = tpu.memref_slice %arg2[%add3A_69] : memref<8192xf32, #tpu.memory_space<hbm>> -> memref<64xf32, #tpu.memory_space<hbm>>
    tpu.enqueue_dma source(%dma_start3A_78 : memref<64xf32, #tpu.memory_space<hbm>>) target(%dma_start3A_77 : memref<64xf32, #tpu.memory_space<vmem>>) target_semaphore(%arg6 : memref<!tpu.dma_semaphore, #tpu.memory_space<semaphore_mem>>)
    %add3A_79 = arith.constant 7168 : i32
    %add3A_80 = arith.addi %add3A_79, %mul3A_2 : i32
    %dma_start3A_81 = arith.constant 7 : i32
    %dma_start3A_82 = arith.constant 0 : i32
    %dma_start3A_83 = tpu.memref_slice %arg4[%dma_start3A_81, %dma_start3A_82] : memref<8x64xf32, #tpu.memory_space<vmem>> -> memref<1x64xf32, #tpu.memory_space<vmem>>
    %dma_start3A_84 = tpu.memref_squeeze %dma_start3A_83 : memref<1x64xf32, #tpu.memory_space<vmem>> -> memref<64xf32, #tpu.memory_space<vmem>>
    %dma_start3A_85 = tpu.memref_slice %arg2[%add3A_80] : memref<8192xf32, #tpu.memory_space<hbm>> -> memref<64xf32, #tpu.memory_space<hbm>>
    %dma_start3A_86 = arith.constant 0 : i32
    %dma_start3A_87 = tpu.memref_slice %arg4[%dma_start3A_81, %dma_start3A_86] : memref<8x64xf32, #tpu.memory_space<vmem>> -> memref<1x64xf32, #tpu.memory_space<vmem>>
    %dma_start3A_88 = tpu.memref_squeeze %dma_start3A_87 : memref<1x64xf32, #tpu.memory_space<vmem>> -> memref<64xf32, #tpu.memory_space<vmem>>
    %dma_start3A_89 = tpu.memref_slice %arg2[%add3A_80] : memref<8192xf32, #tpu.memory_space<hbm>> -> memref<64xf32, #tpu.memory_space<hbm>>
    tpu.enqueue_dma source(%dma_start3A_89 : memref<64xf32, #tpu.memory_space<hbm>>) target(%dma_start3A_88 : memref<64xf32, #tpu.memory_space<vmem>>) target_semaphore(%arg6 : memref<!tpu.dma_semaphore, #tpu.memory_space<semaphore_mem>>)
    %dma_wait3A = arith.constant 0 : i32
    %dma_wait3A_90 = arith.constant 0 : i32
    %dma_wait3A_91 = tpu.memref_slice %arg4[%dma_wait3A, %dma_wait3A_90] : memref<8x64xf32, #tpu.memory_space<vmem>> -> memref<1x64xf32, #tpu.memory_space<vmem>>
    %dma_wait3A_92 = tpu.memref_squeeze %dma_wait3A_91 : memref<1x64xf32, #tpu.memory_space<vmem>> -> memref<64xf32, #tpu.memory_space<vmem>>
    %dma_wait3A_93 = tpu.memref_slice %arg2[%add3A_4] : memref<8192xf32, #tpu.memory_space<hbm>> -> memref<64xf32, #tpu.memory_space<hbm>>
    %dma_wait3A_94 = arith.constant 0 : i32
    %dma_wait3A_95 = tpu.memref_slice %arg4[%dma_wait3A, %dma_wait3A_94] : memref<8x64xf32, #tpu.memory_space<vmem>> -> memref<1x64xf32, #tpu.memory_space<vmem>>
    %dma_wait3A_96 = tpu.memref_squeeze %dma_wait3A_95 : memref<1x64xf32, #tpu.memory_space<vmem>> -> memref<64xf32, #tpu.memory_space<vmem>>
    %dma_wait3A_97 = tpu.memref_slice %arg2[%add3A_4] : memref<8192xf32, #tpu.memory_space<hbm>> -> memref<64xf32, #tpu.memory_space<hbm>>
    tpu.wait_dma2 semaphore(%arg6 : memref<!tpu.dma_semaphore, #tpu.memory_space<semaphore_mem>>) src(%dma_wait3A_97 : memref<64xf32, #tpu.memory_space<hbm>>) dst(%dma_wait3A_96 : memref<64xf32, #tpu.memory_space<vmem>>)
    %dma_wait3A_98 = arith.constant 1 : i32
    %dma_wait3A_99 = arith.constant 0 : i32
    %dma_wait3A_100 = tpu.memref_slice %arg4[%dma_wait3A_98, %dma_wait3A_99] : memref<8x64xf32, #tpu.memory_space<vmem>> -> memref<1x64xf32, #tpu.memory_space<vmem>>
    %dma_wait3A_101 = tpu.memref_squeeze %dma_wait3A_100 : memref<1x64xf32, #tpu.memory_space<vmem>> -> memref<64xf32, #tpu.memory_space<vmem>>
    %dma_wait3A_102 = tpu.memref_slice %arg2[%add3A_14] : memref<8192xf32, #tpu.memory_space<hbm>> -> memref<64xf32, #tpu.memory_space<hbm>>
    %dma_wait3A_103 = arith.constant 0 : i32
    %dma_wait3A_104 = tpu.memref_slice %arg4[%dma_wait3A_98, %dma_wait3A_103] : memref<8x64xf32, #tpu.memory_space<vmem>> -> memref<1x64xf32, #tpu.memory_space<vmem>>
    %dma_wait3A_105 = tpu.memref_squeeze %dma_wait3A_104 : memref<1x64xf32, #tpu.memory_space<vmem>> -> memref<64xf32, #tpu.memory_space<vmem>>
    %dma_wait3A_106 = tpu.memref_slice %arg2[%add3A_14] : memref<8192xf32, #tpu.memory_space<hbm>> -> memref<64xf32, #tpu.memory_space<hbm>>
    tpu.wait_dma2 semaphore(%arg6 : memref<!tpu.dma_semaphore, #tpu.memory_space<semaphore_mem>>) src(%dma_wait3A_106 : memref<64xf32, #tpu.memory_space<hbm>>) dst(%dma_wait3A_105 : memref<64xf32, #tpu.memory_space<vmem>>)
    %dma_wait3A_107 = arith.constant 2 : i32
    %dma_wait3A_108 = arith.constant 0 : i32
    %dma_wait3A_109 = tpu.memref_slice %arg4[%dma_wait3A_107, %dma_wait3A_108] : memref<8x64xf32, #tpu.memory_space<vmem>> -> memref<1x64xf32, #tpu.memory_space<vmem>>
    %dma_wait3A_110 = tpu.memref_squeeze %dma_wait3A_109 : memref<1x64xf32, #tpu.memory_space<vmem>> -> memref<64xf32, #tpu.memory_space<vmem>>
    %dma_wait3A_111 = tpu.memref_slice %arg2[%add3A_25] : memref<8192xf32, #tpu.memory_space<hbm>> -> memref<64xf32, #tpu.memory_space<hbm>>
    %dma_wait3A_112 = arith.constant 0 : i32
    %dma_wait3A_113 = tpu.memref_slice %arg4[%dma_wait3A_107, %dma_wait3A_112] : memref<8x64xf32, #tpu.memory_space<vmem>> -> memref<1x64xf32, #tpu.memory_space<vmem>>
    %dma_wait3A_114 = tpu.memref_squeeze %dma_wait3A_113 : memref<1x64xf32, #tpu.memory_space<vmem>> -> memref<64xf32, #tpu.memory_space<vmem>>
    %dma_wait3A_115 = tpu.memref_slice %arg2[%add3A_25] : memref<8192xf32, #tpu.memory_space<hbm>> -> memref<64xf32, #tpu.memory_space<hbm>>
    tpu.wait_dma2 semaphore(%arg6 : memref<!tpu.dma_semaphore, #tpu.memory_space<semaphore_mem>>) src(%dma_wait3A_115 : memref<64xf32, #tpu.memory_space<hbm>>) dst(%dma_wait3A_114 : memref<64xf32, #tpu.memory_space<vmem>>)
    %dma_wait3A_116 = arith.constant 3 : i32
    %dma_wait3A_117 = arith.constant 0 : i32
    %dma_wait3A_118 = tpu.memref_slice %arg4[%dma_wait3A_116, %dma_wait3A_117] : memref<8x64xf32, #tpu.memory_space<vmem>> -> memref<1x64xf32, #tpu.memory_space<vmem>>
    %dma_wait3A_119 = tpu.memref_squeeze %dma_wait3A_118 : memref<1x64xf32, #tpu.memory_space<vmem>> -> memref<64xf32, #tpu.memory_space<vmem>>
    %dma_wait3A_120 = tpu.memref_slice %arg2[%add3A_36] : memref<8192xf32, #tpu.memory_space<hbm>> -> memref<64xf32, #tpu.memory_space<hbm>>
    %dma_wait3A_121 = arith.constant 0 : i32
    %dma_wait3A_122 = tpu.memref_slice %arg4[%dma_wait3A_116, %dma_wait3A_121] : memref<8x64xf32, #tpu.memory_space<vmem>> -> memref<1x64xf32, #tpu.memory_space<vmem>>
    %dma_wait3A_123 = tpu.memref_squeeze %dma_wait3A_122 : memref<1x64xf32, #tpu.memory_space<vmem>> -> memref<64xf32, #tpu.memory_space<vmem>>
    %dma_wait3A_124 = tpu.memref_slice %arg2[%add3A_36] : memref<8192xf32, #tpu.memory_space<hbm>> -> memref<64xf32, #tpu.memory_space<hbm>>
    tpu.wait_dma2 semaphore(%arg6 : memref<!tpu.dma_semaphore, #tpu.memory_space<semaphore_mem>>) src(%dma_wait3A_124 : memref<64xf32, #tpu.memory_space<hbm>>) dst(%dma_wait3A_123 : memref<64xf32, #tpu.memory_space<vmem>>)
    %dma_wait3A_125 = arith.constant 4 : i32
    %dma_wait3A_126 = arith.constant 0 : i32
    %dma_wait3A_127 = tpu.memref_slice %arg4[%dma_wait3A_125, %dma_wait3A_126] : memref<8x64xf32, #tpu.memory_space<vmem>> -> memref<1x64xf32, #tpu.memory_space<vmem>>
    %dma_wait3A_128 = tpu.memref_squeeze %dma_wait3A_127 : memref<1x64xf32, #tpu.memory_space<vmem>> -> memref<64xf32, #tpu.memory_space<vmem>>
    %dma_wait3A_129 = tpu.memref_slice %arg2[%add3A_47] : memref<8192xf32, #tpu.memory_space<hbm>> -> memref<64xf32, #tpu.memory_space<hbm>>
    %dma_wait3A_130 = arith.constant 0 : i32
    %dma_wait3A_131 = tpu.memref_slice %arg4[%dma_wait3A_125, %dma_wait3A_130] : memref<8x64xf32, #tpu.memory_space<vmem>> -> memref<1x64xf32, #tpu.memory_space<vmem>>
    %dma_wait3A_132 = tpu.memref_squeeze %dma_wait3A_131 : memref<1x64xf32, #tpu.memory_space<vmem>> -> memref<64xf32, #tpu.memory_space<vmem>>
    %dma_wait3A_133 = tpu.memref_slice %arg2[%add3A_47] : memref<8192xf32, #tpu.memory_space<hbm>> -> memref<64xf32, #tpu.memory_space<hbm>>
    tpu.wait_dma2 semaphore(%arg6 : memref<!tpu.dma_semaphore, #tpu.memory_space<semaphore_mem>>) src(%dma_wait3A_133 : memref<64xf32, #tpu.memory_space<hbm>>) dst(%dma_wait3A_132 : memref<64xf32, #tpu.memory_space<vmem>>)
    %dma_wait3A_134 = arith.constant 5 : i32
    %dma_wait3A_135 = arith.constant 0 : i32
    %dma_wait3A_136 = tpu.memref_slice %arg4[%dma_wait3A_134, %dma_wait3A_135] : memref<8x64xf32, #tpu.memory_space<vmem>> -> memref<1x64xf32, #tpu.memory_space<vmem>>
    %dma_wait3A_137 = tpu.memref_squeeze %dma_wait3A_136 : memref<1x64xf32, #tpu.memory_space<vmem>> -> memref<64xf32, #tpu.memory_space<vmem>>
    %dma_wait3A_138 = tpu.memref_slice %arg2[%add3A_58] : memref<8192xf32, #tpu.memory_space<hbm>> -> memref<64xf32, #tpu.memory_space<hbm>>
    %dma_wait3A_139 = arith.constant 0 : i32
    %dma_wait3A_140 = tpu.memref_slice %arg4[%dma_wait3A_134, %dma_wait3A_139] : memref<8x64xf32, #tpu.memory_space<vmem>> -> memref<1x64xf32, #tpu.memory_space<vmem>>
    %dma_wait3A_141 = tpu.memref_squeeze %dma_wait3A_140 : memref<1x64xf32, #tpu.memory_space<vmem>> -> memref<64xf32, #tpu.memory_space<vmem>>
    %dma_wait3A_142 = tpu.memref_slice %arg2[%add3A_58] : memref<8192xf32, #tpu.memory_space<hbm>> -> memref<64xf32, #tpu.memory_space<hbm>>
    tpu.wait_dma2 semaphore(%arg6 : memref<!tpu.dma_semaphore, #tpu.memory_space<semaphore_mem>>) src(%dma_wait3A_142 : memref<64xf32, #tpu.memory_space<hbm>>) dst(%dma_wait3A_141 : memref<64xf32, #tpu.memory_space<vmem>>)
    %dma_wait3A_143 = arith.constant 6 : i32
    %dma_wait3A_144 = arith.constant 0 : i32
    %dma_wait3A_145 = tpu.memref_slice %arg4[%dma_wait3A_143, %dma_wait3A_144] : memref<8x64xf32, #tpu.memory_space<vmem>> -> memref<1x64xf32, #tpu.memory_space<vmem>>
    %dma_wait3A_146 = tpu.memref_squeeze %dma_wait3A_145 : memref<1x64xf32, #tpu.memory_space<vmem>> -> memref<64xf32, #tpu.memory_space<vmem>>
    %dma_wait3A_147 = tpu.memref_slice %arg2[%add3A_69] : memref<8192xf32, #tpu.memory_space<hbm>> -> memref<64xf32, #tpu.memory_space<hbm>>
    %dma_wait3A_148 = arith.constant 0 : i32
    %dma_wait3A_149 = tpu.memref_slice %arg4[%dma_wait3A_143, %dma_wait3A_148] : memref<8x64xf32, #tpu.memory_space<vmem>> -> memref<1x64xf32, #tpu.memory_space<vmem>>
    %dma_wait3A_150 = tpu.memref_squeeze %dma_wait3A_149 : memref<1x64xf32, #tpu.memory_space<vmem>> -> memref<64xf32, #tpu.memory_space<vmem>>
    %dma_wait3A_151 = tpu.memref_slice %arg2[%add3A_69] : memref<8192xf32, #tpu.memory_space<hbm>> -> memref<64xf32, #tpu.memory_space<hbm>>
    tpu.wait_dma2 semaphore(%arg6 : memref<!tpu.dma_semaphore, #tpu.memory_space<semaphore_mem>>) src(%dma_wait3A_151 : memref<64xf32, #tpu.memory_space<hbm>>) dst(%dma_wait3A_150 : memref<64xf32, #tpu.memory_space<vmem>>)
    %dma_wait3A_152 = arith.constant 7 : i32
    %dma_wait3A_153 = arith.constant 0 : i32
    %dma_wait3A_154 = tpu.memref_slice %arg4[%dma_wait3A_152, %dma_wait3A_153] : memref<8x64xf32, #tpu.memory_space<vmem>> -> memref<1x64xf32, #tpu.memory_space<vmem>>
    %dma_wait3A_155 = tpu.memref_squeeze %dma_wait3A_154 : memref<1x64xf32, #tpu.memory_space<vmem>> -> memref<64xf32, #tpu.memory_space<vmem>>
    %dma_wait3A_156 = tpu.memref_slice %arg2[%add3A_80] : memref<8192xf32, #tpu.memory_space<hbm>> -> memref<64xf32, #tpu.memory_space<hbm>>
    %dma_wait3A_157 = arith.constant 0 : i32
    %dma_wait3A_158 = tpu.memref_slice %arg4[%dma_wait3A_152, %dma_wait3A_157] : memref<8x64xf32, #tpu.memory_space<vmem>> -> memref<1x64xf32, #tpu.memory_space<vmem>>
    %dma_wait3A_159 = tpu.memref_squeeze %dma_wait3A_158 : memref<1x64xf32, #tpu.memory_space<vmem>> -> memref<64xf32, #tpu.memory_space<vmem>>
    %dma_wait3A_160 = tpu.memref_slice %arg2[%add3A_80] : memref<8192xf32, #tpu.memory_space<hbm>> -> memref<64xf32, #tpu.memory_space<hbm>>
    tpu.wait_dma2 semaphore(%arg6 : memref<!tpu.dma_semaphore, #tpu.memory_space<semaphore_mem>>) src(%dma_wait3A_160 : memref<64xf32, #tpu.memory_space<hbm>>) dst(%dma_wait3A_159 : memref<64xf32, #tpu.memory_space<vmem>>)
    %get3A = arith.constant 0 : i32
    %get3A_161 = arith.index_cast %get3A : i32 to index
    %get3A_162 = arith.constant 0 : index
    %get3A_163 = tpu.vector_load %arg4[%get3A_161, %get3A_162] {strides = array<i32>} : memref<8x64xf32, #tpu.memory_space<vmem>>, vector<1x16xf32>,
    %get3A_164 = vector.shape_cast %get3A_163 : vector<1x16xf32> to vector<16xf32>
    %get3A_165 = arith.constant 1 : i32
    %get3A_166 = arith.index_cast %get3A_165 : i32 to index
    %get3A_167 = arith.constant 0 : index
    %get3A_168 = tpu.vector_load %arg4[%get3A_166, %get3A_167] {strides = array<i32>} : memref<8x64xf32, #tpu.memory_space<vmem>>, vector<1x16xf32>,
    %get3A_169 = vector.shape_cast %get3A_168 : vector<1x16xf32> to vector<16xf32>
    %get3A_170 = arith.constant 2 : i32
    %get3A_171 = arith.index_cast %get3A_170 : i32 to index
    %get3A_172 = arith.constant 0 : index
    %get3A_173 = tpu.vector_load %arg4[%get3A_171, %get3A_172] {strides = array<i32>} : memref<8x64xf32, #tpu.memory_space<vmem>>, vector<1x16xf32>,
    %get3A_174 = vector.shape_cast %get3A_173 : vector<1x16xf32> to vector<16xf32>
    %get3A_175 = arith.constant 3 : i32
    %get3A_176 = arith.index_cast %get3A_175 : i32 to index
    %get3A_177 = arith.constant 0 : index
    %get3A_178 = tpu.vector_load %arg4[%get3A_176, %get3A_177] {strides = array<i32>} : memref<8x64xf32, #tpu.memory_space<vmem>>, vector<1x16xf32>,
    %get3A_179 = vector.shape_cast %get3A_178 : vector<1x16xf32> to vector<16xf32>
    %get3A_180 = arith.constant 4 : i32
    %get3A_181 = arith.index_cast %get3A_180 : i32 to index
    %get3A_182 = arith.constant 0 : index
    %get3A_183 = tpu.vector_load %arg4[%get3A_181, %get3A_182] {strides = array<i32>} : memref<8x64xf32, #tpu.memory_space<vmem>>, vector<1x16xf32>,
    %get3A_184 = vector.shape_cast %get3A_183 : vector<1x16xf32> to vector<16xf32>
    %get3A_185 = arith.constant 5 : i32
    %get3A_186 = arith.index_cast %get3A_185 : i32 to index
    %get3A_187 = arith.constant 0 : index
    %get3A_188 = tpu.vector_load %arg4[%get3A_186, %get3A_187] {strides = array<i32>} : memref<8x64xf32, #tpu.memory_space<vmem>>, vector<1x16xf32>,
    %get3A_189 = vector.shape_cast %get3A_188 : vector<1x16xf32> to vector<16xf32>
    %get3A_190 = arith.constant 6 : i32
    %get3A_191 = arith.index_cast %get3A_190 : i32 to index
    %get3A_192 = arith.constant 0 : index
    %get3A_193 = tpu.vector_load %arg4[%get3A_191, %get3A_192] {strides = array<i32>} : memref<8x64xf32, #tpu.memory_space<vmem>>, vector<1x16xf32>,
    %get3A_194 = vector.shape_cast %get3A_193 : vector<1x16xf32> to vector<16xf32>
    %get3A_195 = arith.constant 7 : i32
    %get3A_196 = arith.index_cast %get3A_195 : i32 to index
    %get3A_197 = arith.constant 0 : index
    %get3A_198 = tpu.vector_load %arg4[%get3A_196, %get3A_197] {strides = array<i32>} : memref<8x64xf32, #tpu.memory_space<vmem>>, vector<1x16xf32>,
    %get3A_199 = vector.shape_cast %get3A_198 : vector<1x16xf32> to vector<16xf32>
    %max3A = arith.maximumf %get3A_164, %get3A_169 : vector<16xf32>
    %max3A_200 = arith.maximumf %max3A, %get3A_174 : vector<16xf32>
    %max3A_201 = arith.maximumf %max3A_200, %get3A_179 : vector<16xf32>
    %max3A_202 = arith.maximumf %max3A_201, %get3A_184 : vector<16xf32>
    %max3A_203 = arith.maximumf %max3A_202, %get3A_189 : vector<16xf32>
    %max3A_204 = arith.maximumf %max3A_203, %get3A_194 : vector<16xf32>
    %max3A_205 = arith.maximumf %max3A_204, %get3A_199 : vector<16xf32>
    %broadcast_in_dim3A = arith.constant 8 : i32
    %broadcast_in_dim3A_206 = vector.broadcast %broadcast_in_dim3A : i32 to vector<16xi32>
    %eq3A = arith.cmpf oeq, %get3A_199, %max3A_205 : vector<16xf32>
    %jit3A = arith.constant 7 : i32
    %broadcast_in_dim3A_207 = vector.broadcast %jit3A : i32 to vector<16xi32>
    %select_n3A = arith.select %eq3A, %broadcast_in_dim3A_207, %broadcast_in_dim3A_206 : vector<16xi1>, vector<16xi32>
    %eq3A_208 = arith.cmpf oeq, %get3A_194, %max3A_205 : vector<16xf32>
    %jit3A_209 = arith.constant 6 : i32
    %broadcast_in_dim3A_210 = vector.broadcast %jit3A_209 : i32 to vector<16xi32>
    %select_n3A_211 = arith.select %eq3A_208, %broadcast_in_dim3A_210, %select_n3A : vector<16xi1>, vector<16xi32>
    %eq3A_212 = arith.cmpf oeq, %get3A_189, %max3A_205 : vector<16xf32>
    %jit3A_213 = arith.constant 5 : i32
    %broadcast_in_dim3A_214 = vector.broadcast %jit3A_213 : i32 to vector<16xi32>
    %select_n3A_215 = arith.select %eq3A_212, %broadcast_in_dim3A_214, %select_n3A_211 : vector<16xi1>, vector<16xi32>
    %eq3A_216 = arith.cmpf oeq, %get3A_184, %max3A_205 : vector<16xf32>
    %jit3A_217 = arith.constant 4 : i32
    %broadcast_in_dim3A_218 = vector.broadcast %jit3A_217 : i32 to vector<16xi32>
    %select_n3A_219 = arith.select %eq3A_216, %broadcast_in_dim3A_218, %select_n3A_215 : vector<16xi1>, vector<16xi32>
    %eq3A_220 = arith.cmpf oeq, %get3A_179, %max3A_205 : vector<16xf32>
    %jit3A_221 = arith.constant 3 : i32
    %broadcast_in_dim3A_222 = vector.broadcast %jit3A_221 : i32 to vector<16xi32>
    %select_n3A_223 = arith.select %eq3A_220, %broadcast_in_dim3A_222, %select_n3A_219 : vector<16xi1>, vector<16xi32>
    %eq3A_224 = arith.cmpf oeq, %get3A_174, %max3A_205 : vector<16xf32>
    %jit3A_225 = arith.constant 2 : i32
    %broadcast_in_dim3A_226 = vector.broadcast %jit3A_225 : i32 to vector<16xi32>
    %select_n3A_227 = arith.select %eq3A_224, %broadcast_in_dim3A_226, %select_n3A_223 : vector<16xi1>, vector<16xi32>
    %eq3A_228 = arith.cmpf oeq, %get3A_169, %max3A_205 : vector<16xf32>
    %jit3A_229 = arith.constant 1 : i32
    %broadcast_in_dim3A_230 = vector.broadcast %jit3A_229 : i32 to vector<16xi32>
    %select_n3A_231 = arith.select %eq3A_228, %broadcast_in_dim3A_230, %select_n3A_227 : vector<16xi1>, vector<16xi32>
    %eq3A_232 = arith.cmpf oeq, %get3A_164, %max3A_205 : vector<16xf32>
    %jit3A_233 = arith.constant 0 : i32
    %broadcast_in_dim3A_234 = vector.broadcast %jit3A_233 : i32 to vector<16xi32>
    %select_n3A_235 = arith.select %eq3A_232, %broadcast_in_dim3A_234, %select_n3A_231 : vector<16xi1>, vector<16xi32>
    %eq3A_236 = arith.constant 0 : i32
    %eq3A_237 = vector.broadcast %eq3A_236 : i32 to vector<16xi32>
    %eq3A_238 = arith.cmpi eq, %select_n3A_235, %eq3A_237 : vector<16xi32>
    %jit3A_239 = arith.constant -1.000000e+00 : f32
    %broadcast_in_dim3A_240 = vector.broadcast %jit3A_239 : f32 to vector<16xf32>
    %select_n3A_241 = arith.select %eq3A_238, %broadcast_in_dim3A_240, %get3A_164 : vector<16xi1>, vector<16xf32>
    %eq3A_242 = arith.constant 1 : i32
    %eq3A_243 = vector.broadcast %eq3A_242 : i32 to vector<16xi32>
    %eq3A_244 = arith.cmpi eq, %select_n3A_235, %eq3A_243 : vector<16xi32>
    %jit3A_245 = arith.constant -1.000000e+00 : f32
    %broadcast_in_dim3A_246 = vector.broadcast %jit3A_245 : f32 to vector<16xf32>
    %select_n3A_247 = arith.select %eq3A_244, %broadcast_in_dim3A_246, %get3A_169 : vector<16xi1>, vector<16xf32>
    %eq3A_248 = arith.constant 2 : i32
    %eq3A_249 = vector.broadcast %eq3A_248 : i32 to vector<16xi32>
    %eq3A_250 = arith.cmpi eq, %select_n3A_235, %eq3A_249 : vector<16xi32>
    %jit3A_251 = arith.constant -1.000000e+00 : f32
    %broadcast_in_dim3A_252 = vector.broadcast %jit3A_251 : f32 to vector<16xf32>
    %select_n3A_253 = arith.select %eq3A_250, %broadcast_in_dim3A_252, %get3A_174 : vector<16xi1>, vector<16xf32>
    %eq3A_254 = arith.constant 3 : i32
    %eq3A_255 = vector.broadcast %eq3A_254 : i32 to vector<16xi32>
    %eq3A_256 = arith.cmpi eq, %select_n3A_235, %eq3A_255 : vector<16xi32>
    %jit3A_257 = arith.constant -1.000000e+00 : f32
    %broadcast_in_dim3A_258 = vector.broadcast %jit3A_257 : f32 to vector<16xf32>
    %select_n3A_259 = arith.select %eq3A_256, %broadcast_in_dim3A_258, %get3A_179 : vector<16xi1>, vector<16xf32>
    %eq3A_260 = arith.constant 4 : i32
    %eq3A_261 = vector.broadcast %eq3A_260 : i32 to vector<16xi32>
    %eq3A_262 = arith.cmpi eq, %select_n3A_235, %eq3A_261 : vector<16xi32>
    %jit3A_263 = arith.constant -1.000000e+00 : f32
    %broadcast_in_dim3A_264 = vector.broadcast %jit3A_263 : f32 to vector<16xf32>
    %select_n3A_265 = arith.select %eq3A_262, %broadcast_in_dim3A_264, %get3A_184 : vector<16xi1>, vector<16xf32>
    %eq3A_266 = arith.constant 5 : i32
    %eq3A_267 = vector.broadcast %eq3A_266 : i32 to vector<16xi32>
    %eq3A_268 = arith.cmpi eq, %select_n3A_235, %eq3A_267 : vector<16xi32>
    %jit3A_269 = arith.constant -1.000000e+00 : f32
    %broadcast_in_dim3A_270 = vector.broadcast %jit3A_269 : f32 to vector<16xf32>
    %select_n3A_271 = arith.select %eq3A_268, %broadcast_in_dim3A_270, %get3A_189 : vector<16xi1>, vector<16xf32>
    %eq3A_272 = arith.constant 6 : i32
    %eq3A_273 = vector.broadcast %eq3A_272 : i32 to vector<16xi32>
    %eq3A_274 = arith.cmpi eq, %select_n3A_235, %eq3A_273 : vector<16xi32>
    %jit3A_275 = arith.constant -1.000000e+00 : f32
    %broadcast_in_dim3A_276 = vector.broadcast %jit3A_275 : f32 to vector<16xf32>
    %select_n3A_277 = arith.select %eq3A_274, %broadcast_in_dim3A_276, %get3A_194 : vector<16xi1>, vector<16xf32>
    %eq3A_278 = arith.constant 7 : i32
    %eq3A_279 = vector.broadcast %eq3A_278 : i32 to vector<16xi32>
    %eq3A_280 = arith.cmpi eq, %select_n3A_235, %eq3A_279 : vector<16xi32>
    %jit3A_281 = arith.constant -1.000000e+00 : f32
    %broadcast_in_dim3A_282 = vector.broadcast %jit3A_281 : f32 to vector<16xf32>
    %select_n3A_283 = arith.select %eq3A_280, %broadcast_in_dim3A_282, %get3A_199 : vector<16xi1>, vector<16xf32>
    %max3A_284 = arith.maximumf %select_n3A_241, %select_n3A_247 : vector<16xf32>
    %max3A_285 = arith.maximumf %max3A_284, %select_n3A_253 : vector<16xf32>
    %max3A_286 = arith.maximumf %max3A_285, %select_n3A_259 : vector<16xf32>
    %max3A_287 = arith.maximumf %max3A_286, %select_n3A_265 : vector<16xf32>
    %max3A_288 = arith.maximumf %max3A_287, %select_n3A_271 : vector<16xf32>
    %max3A_289 = arith.maximumf %max3A_288, %select_n3A_277 : vector<16xf32>
    %max3A_290 = arith.maximumf %max3A_289, %select_n3A_283 : vector<16xf32>
    %broadcast_in_dim3A_291 = arith.constant 8 : i32
    %broadcast_in_dim3A_292 = vector.broadcast %broadcast_in_dim3A_291 : i32 to vector<16xi32>
    %eq3A_293 = arith.cmpf oeq, %select_n3A_283, %max3A_290 : vector<16xf32>
    %jit3A_294 = arith.constant 7 : i32
    %broadcast_in_dim3A_295 = vector.broadcast %jit3A_294 : i32 to vector<16xi32>
    %select_n3A_296 = arith.select %eq3A_293, %broadcast_in_dim3A_295, %broadcast_in_dim3A_292 : vector<16xi1>, vector<16xi32>
    %eq3A_297 = arith.cmpf oeq, %select_n3A_277, %max3A_290 : vector<16xf32>
    %jit3A_298 = arith.constant 6 : i32
    %broadcast_in_dim3A_299 = vector.broadcast %jit3A_298 : i32 to vector<16xi32>
    %select_n3A_300 = arith.select %eq3A_297, %broadcast_in_dim3A_299, %select_n3A_296 : vector<16xi1>, vector<16xi32>
    %eq3A_301 = arith.cmpf oeq, %select_n3A_271, %max3A_290 : vector<16xf32>
    %jit3A_302 = arith.constant 5 : i32
    %broadcast_in_dim3A_303 = vector.broadcast %jit3A_302 : i32 to vector<16xi32>
    %select_n3A_304 = arith.select %eq3A_301, %broadcast_in_dim3A_303, %select_n3A_300 : vector<16xi1>, vector<16xi32>
    %eq3A_305 = arith.cmpf oeq, %select_n3A_265, %max3A_290 : vector<16xf32>
    %jit3A_306 = arith.constant 4 : i32
    %broadcast_in_dim3A_307 = vector.broadcast %jit3A_306 : i32 to vector<16xi32>
    %select_n3A_308 = arith.select %eq3A_305, %broadcast_in_dim3A_307, %select_n3A_304 : vector<16xi1>, vector<16xi32>
    %eq3A_309 = arith.cmpf oeq, %select_n3A_259, %max3A_290 : vector<16xf32>
    %jit3A_310 = arith.constant 3 : i32
    %broadcast_in_dim3A_311 = vector.broadcast %jit3A_310 : i32 to vector<16xi32>
    %select_n3A_312 = arith.select %eq3A_309, %broadcast_in_dim3A_311, %select_n3A_308 : vector<16xi1>, vector<16xi32>
    %eq3A_313 = arith.cmpf oeq, %select_n3A_253, %max3A_290 : vector<16xf32>
    %jit3A_314 = arith.constant 2 : i32
    %broadcast_in_dim3A_315 = vector.broadcast %jit3A_314 : i32 to vector<16xi32>
    %select_n3A_316 = arith.select %eq3A_313, %broadcast_in_dim3A_315, %select_n3A_312 : vector<16xi1>, vector<16xi32>
    %eq3A_317 = arith.cmpf oeq, %select_n3A_247, %max3A_290 : vector<16xf32>
    %jit3A_318 = arith.constant 1 : i32
    %broadcast_in_dim3A_319 = vector.broadcast %jit3A_318 : i32 to vector<16xi32>
    %select_n3A_320 = arith.select %eq3A_317, %broadcast_in_dim3A_319, %select_n3A_316 : vector<16xi1>, vector<16xi32>
    %eq3A_321 = arith.cmpf oeq, %select_n3A_241, %max3A_290 : vector<16xf32>
    %jit3A_322 = arith.constant 0 : i32
    %broadcast_in_dim3A_323 = vector.broadcast %jit3A_322 : i32 to vector<16xi32>
    %select_n3A_324 = arith.select %eq3A_321, %broadcast_in_dim3A_323, %select_n3A_320 : vector<16xi1>, vector<16xi32>
    %eq3A_325 = arith.constant 0 : i32
    %eq3A_326 = vector.broadcast %eq3A_325 : i32 to vector<16xi32>
    %eq3A_327 = arith.cmpi eq, %select_n3A_235, %eq3A_326 : vector<16xi32>
    %jit3A_328 = arith.constant 0.000000e+00 : f32
    %broadcast_in_dim3A_329 = vector.broadcast %jit3A_328 : f32 to vector<16xf32>
    %select_n3A_330 = arith.select %eq3A_327, %max3A_205, %broadcast_in_dim3A_329 : vector<16xi1>, vector<16xf32>
    %eq3A_331 = arith.constant 0 : i32
    %eq3A_332 = vector.broadcast %eq3A_331 : i32 to vector<16xi32>
    %eq3A_333 = arith.cmpi eq, %select_n3A_324, %eq3A_332 : vector<16xi32>
    %jit3A_334 = arith.constant 0.000000e+00 : f32
    %broadcast_in_dim3A_335 = vector.broadcast %jit3A_334 : f32 to vector<16xf32>
    %select_n3A_336 = arith.select %eq3A_333, %max3A_290, %broadcast_in_dim3A_335 : vector<16xi1>, vector<16xf32>
    %add3A_337 = arith.addf %select_n3A_330, %select_n3A_336 : vector<16xf32>
    %swap3A = arith.constant 0 : i32
    %swap3A_338 = arith.index_cast %swap3A : i32 to index
    %swap3A_339 = arith.constant 0 : index
    %swap3A_340 = tpu.vector_load %arg5[%swap3A_338, %swap3A_339] {strides = array<i32>} : memref<8x64xf32, #tpu.memory_space<vmem>>, vector<1x16xf32>,
    %swap3A_341 = vector.shape_cast %swap3A_340 : vector<1x16xf32> to vector<16xf32>
    %swap3A_342 = vector.shape_cast %add3A_337 : vector<16xf32> to vector<1x16xf32>
    tpu.vector_store %arg5[%swap3A_338, %swap3A_339], %swap3A_342 {strides = array<i32>} : memref<8x64xf32, #tpu.memory_space<vmem>>, vector<1x16xf32>,
    %eq3A_343 = arith.constant 1 : i32
    %eq3A_344 = vector.broadcast %eq3A_343 : i32 to vector<16xi32>
    %eq3A_345 = arith.cmpi eq, %select_n3A_235, %eq3A_344 : vector<16xi32>
    %jit3A_346 = arith.constant 0.000000e+00 : f32
    %broadcast_in_dim3A_347 = vector.broadcast %jit3A_346 : f32 to vector<16xf32>
    %select_n3A_348 = arith.select %eq3A_345, %max3A_205, %broadcast_in_dim3A_347 : vector<16xi1>, vector<16xf32>
    %eq3A_349 = arith.constant 1 : i32
    %eq3A_350 = vector.broadcast %eq3A_349 : i32 to vector<16xi32>
    %eq3A_351 = arith.cmpi eq, %select_n3A_324, %eq3A_350 : vector<16xi32>
    %jit3A_352 = arith.constant 0.000000e+00 : f32
    %broadcast_in_dim3A_353 = vector.broadcast %jit3A_352 : f32 to vector<16xf32>
    %select_n3A_354 = arith.select %eq3A_351, %max3A_290, %broadcast_in_dim3A_353 : vector<16xi1>, vector<16xf32>
    %add3A_355 = arith.addf %select_n3A_348, %select_n3A_354 : vector<16xf32>
    %swap3A_356 = arith.constant 1 : i32
    %swap3A_357 = arith.index_cast %swap3A_356 : i32 to index
    %swap3A_358 = arith.constant 0 : index
    %swap3A_359 = tpu.vector_load %arg5[%swap3A_357, %swap3A_358] {strides = array<i32>} : memref<8x64xf32, #tpu.memory_space<vmem>>, vector<1x16xf32>,
    %swap3A_360 = vector.shape_cast %swap3A_359 : vector<1x16xf32> to vector<16xf32>
    %swap3A_361 = vector.shape_cast %add3A_355 : vector<16xf32> to vector<1x16xf32>
    tpu.vector_store %arg5[%swap3A_357, %swap3A_358], %swap3A_361 {strides = array<i32>} : memref<8x64xf32, #tpu.memory_space<vmem>>, vector<1x16xf32>,
    %eq3A_362 = arith.constant 2 : i32
    %eq3A_363 = vector.broadcast %eq3A_362 : i32 to vector<16xi32>
    %eq3A_364 = arith.cmpi eq, %select_n3A_235, %eq3A_363 : vector<16xi32>
    %jit3A_365 = arith.constant 0.000000e+00 : f32
    %broadcast_in_dim3A_366 = vector.broadcast %jit3A_365 : f32 to vector<16xf32>
    %select_n3A_367 = arith.select %eq3A_364, %max3A_205, %broadcast_in_dim3A_366 : vector<16xi1>, vector<16xf32>
    %eq3A_368 = arith.constant 2 : i32
    %eq3A_369 = vector.broadcast %eq3A_368 : i32 to vector<16xi32>
    %eq3A_370 = arith.cmpi eq, %select_n3A_324, %eq3A_369 : vector<16xi32>
    %jit3A_371 = arith.constant 0.000000e+00 : f32
    %broadcast_in_dim3A_372 = vector.broadcast %jit3A_371 : f32 to vector<16xf32>
    %select_n3A_373 = arith.select %eq3A_370, %max3A_290, %broadcast_in_dim3A_372 : vector<16xi1>, vector<16xf32>
    %add3A_374 = arith.addf %select_n3A_367, %select_n3A_373 : vector<16xf32>
    %swap3A_375 = arith.constant 2 : i32
    %swap3A_376 = arith.index_cast %swap3A_375 : i32 to index
    %swap3A_377 = arith.constant 0 : index
    %swap3A_378 = tpu.vector_load %arg5[%swap3A_376, %swap3A_377] {strides = array<i32>} : memref<8x64xf32, #tpu.memory_space<vmem>>, vector<1x16xf32>,
    %swap3A_379 = vector.shape_cast %swap3A_378 : vector<1x16xf32> to vector<16xf32>
    %swap3A_380 = vector.shape_cast %add3A_374 : vector<16xf32> to vector<1x16xf32>
    tpu.vector_store %arg5[%swap3A_376, %swap3A_377], %swap3A_380 {strides = array<i32>} : memref<8x64xf32, #tpu.memory_space<vmem>>, vector<1x16xf32>,
    %eq3A_381 = arith.constant 3 : i32
    %eq3A_382 = vector.broadcast %eq3A_381 : i32 to vector<16xi32>
    %eq3A_383 = arith.cmpi eq, %select_n3A_235, %eq3A_382 : vector<16xi32>
    %jit3A_384 = arith.constant 0.000000e+00 : f32
    %broadcast_in_dim3A_385 = vector.broadcast %jit3A_384 : f32 to vector<16xf32>
    %select_n3A_386 = arith.select %eq3A_383, %max3A_205, %broadcast_in_dim3A_385 : vector<16xi1>, vector<16xf32>
    %eq3A_387 = arith.constant 3 : i32
    %eq3A_388 = vector.broadcast %eq3A_387 : i32 to vector<16xi32>
    %eq3A_389 = arith.cmpi eq, %select_n3A_324, %eq3A_388 : vector<16xi32>
    %jit3A_390 = arith.constant 0.000000e+00 : f32
    %broadcast_in_dim3A_391 = vector.broadcast %jit3A_390 : f32 to vector<16xf32>
    %select_n3A_392 = arith.select %eq3A_389, %max3A_290, %broadcast_in_dim3A_391 : vector<16xi1>, vector<16xf32>
    %add3A_393 = arith.addf %select_n3A_386, %select_n3A_392 : vector<16xf32>
    %swap3A_394 = arith.constant 3 : i32
    %swap3A_395 = arith.index_cast %swap3A_394 : i32 to index
    %swap3A_396 = arith.constant 0 : index
    %swap3A_397 = tpu.vector_load %arg5[%swap3A_395, %swap3A_396] {strides = array<i32>} : memref<8x64xf32, #tpu.memory_space<vmem>>, vector<1x16xf32>,
    %swap3A_398 = vector.shape_cast %swap3A_397 : vector<1x16xf32> to vector<16xf32>
    %swap3A_399 = vector.shape_cast %add3A_393 : vector<16xf32> to vector<1x16xf32>
    tpu.vector_store %arg5[%swap3A_395, %swap3A_396], %swap3A_399 {strides = array<i32>} : memref<8x64xf32, #tpu.memory_space<vmem>>, vector<1x16xf32>,
    %eq3A_400 = arith.constant 4 : i32
    %eq3A_401 = vector.broadcast %eq3A_400 : i32 to vector<16xi32>
    %eq3A_402 = arith.cmpi eq, %select_n3A_235, %eq3A_401 : vector<16xi32>
    %jit3A_403 = arith.constant 0.000000e+00 : f32
    %broadcast_in_dim3A_404 = vector.broadcast %jit3A_403 : f32 to vector<16xf32>
    %select_n3A_405 = arith.select %eq3A_402, %max3A_205, %broadcast_in_dim3A_404 : vector<16xi1>, vector<16xf32>
    %eq3A_406 = arith.constant 4 : i32
    %eq3A_407 = vector.broadcast %eq3A_406 : i32 to vector<16xi32>
    %eq3A_408 = arith.cmpi eq, %select_n3A_324, %eq3A_407 : vector<16xi32>
    %jit3A_409 = arith.constant 0.000000e+00 : f32
    %broadcast_in_dim3A_410 = vector.broadcast %jit3A_409 : f32 to vector<16xf32>
    %select_n3A_411 = arith.select %eq3A_408, %max3A_290, %broadcast_in_dim3A_410 : vector<16xi1>, vector<16xf32>
    %add3A_412 = arith.addf %select_n3A_405, %select_n3A_411 : vector<16xf32>
    %swap3A_413 = arith.constant 4 : i32
    %swap3A_414 = arith.index_cast %swap3A_413 : i32 to index
    %swap3A_415 = arith.constant 0 : index
    %swap3A_416 = tpu.vector_load %arg5[%swap3A_414, %swap3A_415] {strides = array<i32>} : memref<8x64xf32, #tpu.memory_space<vmem>>, vector<1x16xf32>,
    %swap3A_417 = vector.shape_cast %swap3A_416 : vector<1x16xf32> to vector<16xf32>
    %swap3A_418 = vector.shape_cast %add3A_412 : vector<16xf32> to vector<1x16xf32>
    tpu.vector_store %arg5[%swap3A_414, %swap3A_415], %swap3A_418 {strides = array<i32>} : memref<8x64xf32, #tpu.memory_space<vmem>>, vector<1x16xf32>,
    %eq3A_419 = arith.constant 5 : i32
    %eq3A_420 = vector.broadcast %eq3A_419 : i32 to vector<16xi32>
    %eq3A_421 = arith.cmpi eq, %select_n3A_235, %eq3A_420 : vector<16xi32>
    %jit3A_422 = arith.constant 0.000000e+00 : f32
    %broadcast_in_dim3A_423 = vector.broadcast %jit3A_422 : f32 to vector<16xf32>
    %select_n3A_424 = arith.select %eq3A_421, %max3A_205, %broadcast_in_dim3A_423 : vector<16xi1>, vector<16xf32>
    %eq3A_425 = arith.constant 5 : i32
    %eq3A_426 = vector.broadcast %eq3A_425 : i32 to vector<16xi32>
    %eq3A_427 = arith.cmpi eq, %select_n3A_324, %eq3A_426 : vector<16xi32>
    %jit3A_428 = arith.constant 0.000000e+00 : f32
    %broadcast_in_dim3A_429 = vector.broadcast %jit3A_428 : f32 to vector<16xf32>
    %select_n3A_430 = arith.select %eq3A_427, %max3A_290, %broadcast_in_dim3A_429 : vector<16xi1>, vector<16xf32>
    %add3A_431 = arith.addf %select_n3A_424, %select_n3A_430 : vector<16xf32>
    %swap3A_432 = arith.constant 5 : i32
    %swap3A_433 = arith.index_cast %swap3A_432 : i32 to index
    %swap3A_434 = arith.constant 0 : index
    %swap3A_435 = tpu.vector_load %arg5[%swap3A_433, %swap3A_434] {strides = array<i32>} : memref<8x64xf32, #tpu.memory_space<vmem>>, vector<1x16xf32>,
    %swap3A_436 = vector.shape_cast %swap3A_435 : vector<1x16xf32> to vector<16xf32>
    %swap3A_437 = vector.shape_cast %add3A_431 : vector<16xf32> to vector<1x16xf32>
    tpu.vector_store %arg5[%swap3A_433, %swap3A_434], %swap3A_437 {strides = array<i32>} : memref<8x64xf32, #tpu.memory_space<vmem>>, vector<1x16xf32>,
    %eq3A_438 = arith.constant 6 : i32
    %eq3A_439 = vector.broadcast %eq3A_438 : i32 to vector<16xi32>
    %eq3A_440 = arith.cmpi eq, %select_n3A_235, %eq3A_439 : vector<16xi32>
    %jit3A_441 = arith.constant 0.000000e+00 : f32
    %broadcast_in_dim3A_442 = vector.broadcast %jit3A_441 : f32 to vector<16xf32>
    %select_n3A_443 = arith.select %eq3A_440, %max3A_205, %broadcast_in_dim3A_442 : vector<16xi1>, vector<16xf32>
    %eq3A_444 = arith.constant 6 : i32
    %eq3A_445 = vector.broadcast %eq3A_444 : i32 to vector<16xi32>
    %eq3A_446 = arith.cmpi eq, %select_n3A_324, %eq3A_445 : vector<16xi32>
    %jit3A_447 = arith.constant 0.000000e+00 : f32
    %broadcast_in_dim3A_448 = vector.broadcast %jit3A_447 : f32 to vector<16xf32>
    %select_n3A_449 = arith.select %eq3A_446, %max3A_290, %broadcast_in_dim3A_448 : vector<16xi1>, vector<16xf32>
    %add3A_450 = arith.addf %select_n3A_443, %select_n3A_449 : vector<16xf32>
    %swap3A_451 = arith.constant 6 : i32
    %swap3A_452 = arith.index_cast %swap3A_451 : i32 to index
    %swap3A_453 = arith.constant 0 : index
    %swap3A_454 = tpu.vector_load %arg5[%swap3A_452, %swap3A_453] {strides = array<i32>} : memref<8x64xf32, #tpu.memory_space<vmem>>, vector<1x16xf32>,
    %swap3A_455 = vector.shape_cast %swap3A_454 : vector<1x16xf32> to vector<16xf32>
    %swap3A_456 = vector.shape_cast %add3A_450 : vector<16xf32> to vector<1x16xf32>
    tpu.vector_store %arg5[%swap3A_452, %swap3A_453], %swap3A_456 {strides = array<i32>} : memref<8x64xf32, #tpu.memory_space<vmem>>, vector<1x16xf32>,
    %eq3A_457 = arith.constant 7 : i32
    %eq3A_458 = vector.broadcast %eq3A_457 : i32 to vector<16xi32>
    %eq3A_459 = arith.cmpi eq, %select_n3A_235, %eq3A_458 : vector<16xi32>
    %jit3A_460 = arith.constant 0.000000e+00 : f32
    %broadcast_in_dim3A_461 = vector.broadcast %jit3A_460 : f32 to vector<16xf32>
    %select_n3A_462 = arith.select %eq3A_459, %max3A_205, %broadcast_in_dim3A_461 : vector<16xi1>, vector<16xf32>
    %eq3A_463 = arith.constant 7 : i32
    %eq3A_464 = vector.broadcast %eq3A_463 : i32 to vector<16xi32>
    %eq3A_465 = arith.cmpi eq, %select_n3A_324, %eq3A_464 : vector<16xi32>
    %jit3A_466 = arith.constant 0.000000e+00 : f32
    %broadcast_in_dim3A_467 = vector.broadcast %jit3A_466 : f32 to vector<16xf32>
    %select_n3A_468 = arith.select %eq3A_465, %max3A_290, %broadcast_in_dim3A_467 : vector<16xi1>, vector<16xf32>
    %add3A_469 = arith.addf %select_n3A_462, %select_n3A_468 : vector<16xf32>
    %swap3A_470 = arith.constant 7 : i32
    %swap3A_471 = arith.index_cast %swap3A_470 : i32 to index
    %swap3A_472 = arith.constant 0 : index
    %swap3A_473 = tpu.vector_load %arg5[%swap3A_471, %swap3A_472] {strides = array<i32>} : memref<8x64xf32, #tpu.memory_space<vmem>>, vector<1x16xf32>,
    %swap3A_474 = vector.shape_cast %swap3A_473 : vector<1x16xf32> to vector<16xf32>
    %swap3A_475 = vector.shape_cast %add3A_469 : vector<16xf32> to vector<1x16xf32>
    tpu.vector_store %arg5[%swap3A_471, %swap3A_472], %swap3A_475 {strides = array<i32>} : memref<8x64xf32, #tpu.memory_space<vmem>>, vector<1x16xf32>,
    %get3A_476 = arith.constant 0 : i32
    %get3A_477 = arith.index_cast %get3A_476 : i32 to index
    %get3A_478 = arith.constant 16 : index
    %get3A_479 = tpu.vector_load %arg4[%get3A_477, %get3A_478] {strides = array<i32>} : memref<8x64xf32, #tpu.memory_space<vmem>>, vector<1x16xf32>,
    %get3A_480 = vector.shape_cast %get3A_479 : vector<1x16xf32> to vector<16xf32>
    %get3A_481 = arith.constant 1 : i32
    %get3A_482 = arith.index_cast %get3A_481 : i32 to index
    %get3A_483 = arith.constant 16 : index
    %get3A_484 = tpu.vector_load %arg4[%get3A_482, %get3A_483] {strides = array<i32>} : memref<8x64xf32, #tpu.memory_space<vmem>>, vector<1x16xf32>,
    %get3A_485 = vector.shape_cast %get3A_484 : vector<1x16xf32> to vector<16xf32>
    %get3A_486 = arith.constant 2 : i32
    %get3A_487 = arith.index_cast %get3A_486 : i32 to index
    %get3A_488 = arith.constant 16 : index
    %get3A_489 = tpu.vector_load %arg4[%get3A_487, %get3A_488] {strides = array<i32>} : memref<8x64xf32, #tpu.memory_space<vmem>>, vector<1x16xf32>,
    %get3A_490 = vector.shape_cast %get3A_489 : vector<1x16xf32> to vector<16xf32>
    %get3A_491 = arith.constant 3 : i32
    %get3A_492 = arith.index_cast %get3A_491 : i32 to index
    %get3A_493 = arith.constant 16 : index
    %get3A_494 = tpu.vector_load %arg4[%get3A_492, %get3A_493] {strides = array<i32>} : memref<8x64xf32, #tpu.memory_space<vmem>>, vector<1x16xf32>,
    %get3A_495 = vector.shape_cast %get3A_494 : vector<1x16xf32> to vector<16xf32>
    %get3A_496 = arith.constant 4 : i32
    %get3A_497 = arith.index_cast %get3A_496 : i32 to index
    %get3A_498 = arith.constant 16 : index
    %get3A_499 = tpu.vector_load %arg4[%get3A_497, %get3A_498] {strides = array<i32>} : memref<8x64xf32, #tpu.memory_space<vmem>>, vector<1x16xf32>,
    %get3A_500 = vector.shape_cast %get3A_499 : vector<1x16xf32> to vector<16xf32>
    %get3A_501 = arith.constant 5 : i32
    %get3A_502 = arith.index_cast %get3A_501 : i32 to index
    %get3A_503 = arith.constant 16 : index
    %get3A_504 = tpu.vector_load %arg4[%get3A_502, %get3A_503] {strides = array<i32>} : memref<8x64xf32, #tpu.memory_space<vmem>>, vector<1x16xf32>,
    %get3A_505 = vector.shape_cast %get3A_504 : vector<1x16xf32> to vector<16xf32>
    %get3A_506 = arith.constant 6 : i32
    %get3A_507 = arith.index_cast %get3A_506 : i32 to index
    %get3A_508 = arith.constant 16 : index
    %get3A_509 = tpu.vector_load %arg4[%get3A_507, %get3A_508] {strides = array<i32>} : memref<8x64xf32, #tpu.memory_space<vmem>>, vector<1x16xf32>,
    %get3A_510 = vector.shape_cast %get3A_509 : vector<1x16xf32> to vector<16xf32>
    %get3A_511 = arith.constant 7 : i32
    %get3A_512 = arith.index_cast %get3A_511 : i32 to index
    %get3A_513 = arith.constant 16 : index
    %get3A_514 = tpu.vector_load %arg4[%get3A_512, %get3A_513] {strides = array<i32>} : memref<8x64xf32, #tpu.memory_space<vmem>>, vector<1x16xf32>,
    %get3A_515 = vector.shape_cast %get3A_514 : vector<1x16xf32> to vector<16xf32>
    %max3A_516 = arith.maximumf %get3A_480, %get3A_485 : vector<16xf32>
    %max3A_517 = arith.maximumf %max3A_516, %get3A_490 : vector<16xf32>
    %max3A_518 = arith.maximumf %max3A_517, %get3A_495 : vector<16xf32>
    %max3A_519 = arith.maximumf %max3A_518, %get3A_500 : vector<16xf32>
    %max3A_520 = arith.maximumf %max3A_519, %get3A_505 : vector<16xf32>
    %max3A_521 = arith.maximumf %max3A_520, %get3A_510 : vector<16xf32>
    %max3A_522 = arith.maximumf %max3A_521, %get3A_515 : vector<16xf32>
    %broadcast_in_dim3A_523 = arith.constant 8 : i32
    %broadcast_in_dim3A_524 = vector.broadcast %broadcast_in_dim3A_523 : i32 to vector<16xi32>
    %eq3A_525 = arith.cmpf oeq, %get3A_515, %max3A_522 : vector<16xf32>
    %jit3A_526 = arith.constant 7 : i32
    %broadcast_in_dim3A_527 = vector.broadcast %jit3A_526 : i32 to vector<16xi32>
    %select_n3A_528 = arith.select %eq3A_525, %broadcast_in_dim3A_527, %broadcast_in_dim3A_524 : vector<16xi1>, vector<16xi32>
    %eq3A_529 = arith.cmpf oeq, %get3A_510, %max3A_522 : vector<16xf32>
    %jit3A_530 = arith.constant 6 : i32
    %broadcast_in_dim3A_531 = vector.broadcast %jit3A_530 : i32 to vector<16xi32>
    %select_n3A_532 = arith.select %eq3A_529, %broadcast_in_dim3A_531, %select_n3A_528 : vector<16xi1>, vector<16xi32>
    %eq3A_533 = arith.cmpf oeq, %get3A_505, %max3A_522 : vector<16xf32>
    %jit3A_534 = arith.constant 5 : i32
    %broadcast_in_dim3A_535 = vector.broadcast %jit3A_534 : i32 to vector<16xi32>
    %select_n3A_536 = arith.select %eq3A_533, %broadcast_in_dim3A_535, %select_n3A_532 : vector<16xi1>, vector<16xi32>
    %eq3A_537 = arith.cmpf oeq, %get3A_500, %max3A_522 : vector<16xf32>
    %jit3A_538 = arith.constant 4 : i32
    %broadcast_in_dim3A_539 = vector.broadcast %jit3A_538 : i32 to vector<16xi32>
    %select_n3A_540 = arith.select %eq3A_537, %broadcast_in_dim3A_539, %select_n3A_536 : vector<16xi1>, vector<16xi32>
    %eq3A_541 = arith.cmpf oeq, %get3A_495, %max3A_522 : vector<16xf32>
    %jit3A_542 = arith.constant 3 : i32
    %broadcast_in_dim3A_543 = vector.broadcast %jit3A_542 : i32 to vector<16xi32>
    %select_n3A_544 = arith.select %eq3A_541, %broadcast_in_dim3A_543, %select_n3A_540 : vector<16xi1>, vector<16xi32>
    %eq3A_545 = arith.cmpf oeq, %get3A_490, %max3A_522 : vector<16xf32>
    %jit3A_546 = arith.constant 2 : i32
    %broadcast_in_dim3A_547 = vector.broadcast %jit3A_546 : i32 to vector<16xi32>
    %select_n3A_548 = arith.select %eq3A_545, %broadcast_in_dim3A_547, %select_n3A_544 : vector<16xi1>, vector<16xi32>
    %eq3A_549 = arith.cmpf oeq, %get3A_485, %max3A_522 : vector<16xf32>
    %jit3A_550 = arith.constant 1 : i32
    %broadcast_in_dim3A_551 = vector.broadcast %jit3A_550 : i32 to vector<16xi32>
    %select_n3A_552 = arith.select %eq3A_549, %broadcast_in_dim3A_551, %select_n3A_548 : vector<16xi1>, vector<16xi32>
    %eq3A_553 = arith.cmpf oeq, %get3A_480, %max3A_522 : vector<16xf32>
    %jit3A_554 = arith.constant 0 : i32
    %broadcast_in_dim3A_555 = vector.broadcast %jit3A_554 : i32 to vector<16xi32>
    %select_n3A_556 = arith.select %eq3A_553, %broadcast_in_dim3A_555, %select_n3A_552 : vector<16xi1>, vector<16xi32>
    %eq3A_557 = arith.constant 0 : i32
    %eq3A_558 = vector.broadcast %eq3A_557 : i32 to vector<16xi32>
    %eq3A_559 = arith.cmpi eq, %select_n3A_556, %eq3A_558 : vector<16xi32>
    %jit3A_560 = arith.constant -1.000000e+00 : f32
    %broadcast_in_dim3A_561 = vector.broadcast %jit3A_560 : f32 to vector<16xf32>
    %select_n3A_562 = arith.select %eq3A_559, %broadcast_in_dim3A_561, %get3A_480 : vector<16xi1>, vector<16xf32>
    %eq3A_563 = arith.constant 1 : i32
    %eq3A_564 = vector.broadcast %eq3A_563 : i32 to vector<16xi32>
    %eq3A_565 = arith.cmpi eq, %select_n3A_556, %eq3A_564 : vector<16xi32>
    %jit3A_566 = arith.constant -1.000000e+00 : f32
    %broadcast_in_dim3A_567 = vector.broadcast %jit3A_566 : f32 to vector<16xf32>
    %select_n3A_568 = arith.select %eq3A_565, %broadcast_in_dim3A_567, %get3A_485 : vector<16xi1>, vector<16xf32>
    %eq3A_569 = arith.constant 2 : i32
    %eq3A_570 = vector.broadcast %eq3A_569 : i32 to vector<16xi32>
    %eq3A_571 = arith.cmpi eq, %select_n3A_556, %eq3A_570 : vector<16xi32>
    %jit3A_572 = arith.constant -1.000000e+00 : f32
    %broadcast_in_dim3A_573 = vector.broadcast %jit3A_572 : f32 to vector<16xf32>
    %select_n3A_574 = arith.select %eq3A_571, %broadcast_in_dim3A_573, %get3A_490 : vector<16xi1>, vector<16xf32>
    %eq3A_575 = arith.constant 3 : i32
    %eq3A_576 = vector.broadcast %eq3A_575 : i32 to vector<16xi32>
    %eq3A_577 = arith.cmpi eq, %select_n3A_556, %eq3A_576 : vector<16xi32>
    %jit3A_578 = arith.constant -1.000000e+00 : f32
    %broadcast_in_dim3A_579 = vector.broadcast %jit3A_578 : f32 to vector<16xf32>
    %select_n3A_580 = arith.select %eq3A_577, %broadcast_in_dim3A_579, %get3A_495 : vector<16xi1>, vector<16xf32>
    %eq3A_581 = arith.constant 4 : i32
    %eq3A_582 = vector.broadcast %eq3A_581 : i32 to vector<16xi32>
    %eq3A_583 = arith.cmpi eq, %select_n3A_556, %eq3A_582 : vector<16xi32>
    %jit3A_584 = arith.constant -1.000000e+00 : f32
    %broadcast_in_dim3A_585 = vector.broadcast %jit3A_584 : f32 to vector<16xf32>
    %select_n3A_586 = arith.select %eq3A_583, %broadcast_in_dim3A_585, %get3A_500 : vector<16xi1>, vector<16xf32>
    %eq3A_587 = arith.constant 5 : i32
    %eq3A_588 = vector.broadcast %eq3A_587 : i32 to vector<16xi32>
    %eq3A_589 = arith.cmpi eq, %select_n3A_556, %eq3A_588 : vector<16xi32>
    %jit3A_590 = arith.constant -1.000000e+00 : f32
    %broadcast_in_dim3A_591 = vector.broadcast %jit3A_590 : f32 to vector<16xf32>
    %select_n3A_592 = arith.select %eq3A_589, %broadcast_in_dim3A_591, %get3A_505 : vector<16xi1>, vector<16xf32>
    %eq3A_593 = arith.constant 6 : i32
    %eq3A_594 = vector.broadcast %eq3A_593 : i32 to vector<16xi32>
    %eq3A_595 = arith.cmpi eq, %select_n3A_556, %eq3A_594 : vector<16xi32>
    %jit3A_596 = arith.constant -1.000000e+00 : f32
    %broadcast_in_dim3A_597 = vector.broadcast %jit3A_596 : f32 to vector<16xf32>
    %select_n3A_598 = arith.select %eq3A_595, %broadcast_in_dim3A_597, %get3A_510 : vector<16xi1>, vector<16xf32>
    %eq3A_599 = arith.constant 7 : i32
    %eq3A_600 = vector.broadcast %eq3A_599 : i32 to vector<16xi32>
    %eq3A_601 = arith.cmpi eq, %select_n3A_556, %eq3A_600 : vector<16xi32>
    %jit3A_602 = arith.constant -1.000000e+00 : f32
    %broadcast_in_dim3A_603 = vector.broadcast %jit3A_602 : f32 to vector<16xf32>
    %select_n3A_604 = arith.select %eq3A_601, %broadcast_in_dim3A_603, %get3A_515 : vector<16xi1>, vector<16xf32>
    %max3A_605 = arith.maximumf %select_n3A_562, %select_n3A_568 : vector<16xf32>
    %max3A_606 = arith.maximumf %max3A_605, %select_n3A_574 : vector<16xf32>
    %max3A_607 = arith.maximumf %max3A_606, %select_n3A_580 : vector<16xf32>
    %max3A_608 = arith.maximumf %max3A_607, %select_n3A_586 : vector<16xf32>
    %max3A_609 = arith.maximumf %max3A_608, %select_n3A_592 : vector<16xf32>
    %max3A_610 = arith.maximumf %max3A_609, %select_n3A_598 : vector<16xf32>
    %max3A_611 = arith.maximumf %max3A_610, %select_n3A_604 : vector<16xf32>
    %broadcast_in_dim3A_612 = arith.constant 8 : i32
    %broadcast_in_dim3A_613 = vector.broadcast %broadcast_in_dim3A_612 : i32 to vector<16xi32>
    %eq3A_614 = arith.cmpf oeq, %select_n3A_604, %max3A_611 : vector<16xf32>
    %jit3A_615 = arith.constant 7 : i32
    %broadcast_in_dim3A_616 = vector.broadcast %jit3A_615 : i32 to vector<16xi32>
    %select_n3A_617 = arith.select %eq3A_614, %broadcast_in_dim3A_616, %broadcast_in_dim3A_613 : vector<16xi1>, vector<16xi32>
    %eq3A_618 = arith.cmpf oeq, %select_n3A_598, %max3A_611 : vector<16xf32>
    %jit3A_619 = arith.constant 6 : i32
    %broadcast_in_dim3A_620 = vector.broadcast %jit3A_619 : i32 to vector<16xi32>
    %select_n3A_621 = arith.select %eq3A_618, %broadcast_in_dim3A_620, %select_n3A_617 : vector<16xi1>, vector<16xi32>
    %eq3A_622 = arith.cmpf oeq, %select_n3A_592, %max3A_611 : vector<16xf32>
    %jit3A_623 = arith.constant 5 : i32
    %broadcast_in_dim3A_624 = vector.broadcast %jit3A_623 : i32 to vector<16xi32>
    %select_n3A_625 = arith.select %eq3A_622, %broadcast_in_dim3A_624, %select_n3A_621 : vector<16xi1>, vector<16xi32>
    %eq3A_626 = arith.cmpf oeq, %select_n3A_586, %max3A_611 : vector<16xf32>
    %jit3A_627 = arith.constant 4 : i32
    %broadcast_in_dim3A_628 = vector.broadcast %jit3A_627 : i32 to vector<16xi32>
    %select_n3A_629 = arith.select %eq3A_626, %broadcast_in_dim3A_628, %select_n3A_625 : vector<16xi1>, vector<16xi32>
    %eq3A_630 = arith.cmpf oeq, %select_n3A_580, %max3A_611 : vector<16xf32>
    %jit3A_631 = arith.constant 3 : i32
    %broadcast_in_dim3A_632 = vector.broadcast %jit3A_631 : i32 to vector<16xi32>
    %select_n3A_633 = arith.select %eq3A_630, %broadcast_in_dim3A_632, %select_n3A_629 : vector<16xi1>, vector<16xi32>
    %eq3A_634 = arith.cmpf oeq, %select_n3A_574, %max3A_611 : vector<16xf32>
    %jit3A_635 = arith.constant 2 : i32
    %broadcast_in_dim3A_636 = vector.broadcast %jit3A_635 : i32 to vector<16xi32>
    %select_n3A_637 = arith.select %eq3A_634, %broadcast_in_dim3A_636, %select_n3A_633 : vector<16xi1>, vector<16xi32>
    %eq3A_638 = arith.cmpf oeq, %select_n3A_568, %max3A_611 : vector<16xf32>
    %jit3A_639 = arith.constant 1 : i32
    %broadcast_in_dim3A_640 = vector.broadcast %jit3A_639 : i32 to vector<16xi32>
    %select_n3A_641 = arith.select %eq3A_638, %broadcast_in_dim3A_640, %select_n3A_637 : vector<16xi1>, vector<16xi32>
    %eq3A_642 = arith.cmpf oeq, %select_n3A_562, %max3A_611 : vector<16xf32>
    %jit3A_643 = arith.constant 0 : i32
    %broadcast_in_dim3A_644 = vector.broadcast %jit3A_643 : i32 to vector<16xi32>
    %select_n3A_645 = arith.select %eq3A_642, %broadcast_in_dim3A_644, %select_n3A_641 : vector<16xi1>, vector<16xi32>
    %eq3A_646 = arith.constant 0 : i32
    %eq3A_647 = vector.broadcast %eq3A_646 : i32 to vector<16xi32>
    %eq3A_648 = arith.cmpi eq, %select_n3A_556, %eq3A_647 : vector<16xi32>
    %jit3A_649 = arith.constant 0.000000e+00 : f32
    %broadcast_in_dim3A_650 = vector.broadcast %jit3A_649 : f32 to vector<16xf32>
    %select_n3A_651 = arith.select %eq3A_648, %max3A_522, %broadcast_in_dim3A_650 : vector<16xi1>, vector<16xf32>
    %eq3A_652 = arith.constant 0 : i32
    %eq3A_653 = vector.broadcast %eq3A_652 : i32 to vector<16xi32>
    %eq3A_654 = arith.cmpi eq, %select_n3A_645, %eq3A_653 : vector<16xi32>
    %jit3A_655 = arith.constant 0.000000e+00 : f32
    %broadcast_in_dim3A_656 = vector.broadcast %jit3A_655 : f32 to vector<16xf32>
    %select_n3A_657 = arith.select %eq3A_654, %max3A_611, %broadcast_in_dim3A_656 : vector<16xi1>, vector<16xf32>
    %add3A_658 = arith.addf %select_n3A_651, %select_n3A_657 : vector<16xf32>
    %swap3A_659 = arith.constant 0 : i32
    %swap3A_660 = arith.index_cast %swap3A_659 : i32 to index
    %swap3A_661 = arith.constant 16 : index
    %swap3A_662 = tpu.vector_load %arg5[%swap3A_660, %swap3A_661] {strides = array<i32>} : memref<8x64xf32, #tpu.memory_space<vmem>>, vector<1x16xf32>,
    %swap3A_663 = vector.shape_cast %swap3A_662 : vector<1x16xf32> to vector<16xf32>
    %swap3A_664 = vector.shape_cast %add3A_658 : vector<16xf32> to vector<1x16xf32>
    tpu.vector_store %arg5[%swap3A_660, %swap3A_661], %swap3A_664 {strides = array<i32>} : memref<8x64xf32, #tpu.memory_space<vmem>>, vector<1x16xf32>,
    %eq3A_665 = arith.constant 1 : i32
    %eq3A_666 = vector.broadcast %eq3A_665 : i32 to vector<16xi32>
    %eq3A_667 = arith.cmpi eq, %select_n3A_556, %eq3A_666 : vector<16xi32>
    %jit3A_668 = arith.constant 0.000000e+00 : f32
    %broadcast_in_dim3A_669 = vector.broadcast %jit3A_668 : f32 to vector<16xf32>
    %select_n3A_670 = arith.select %eq3A_667, %max3A_522, %broadcast_in_dim3A_669 : vector<16xi1>, vector<16xf32>
    %eq3A_671 = arith.constant 1 : i32
    %eq3A_672 = vector.broadcast %eq3A_671 : i32 to vector<16xi32>
    %eq3A_673 = arith.cmpi eq, %select_n3A_645, %eq3A_672 : vector<16xi32>
    %jit3A_674 = arith.constant 0.000000e+00 : f32
    %broadcast_in_dim3A_675 = vector.broadcast %jit3A_674 : f32 to vector<16xf32>
    %select_n3A_676 = arith.select %eq3A_673, %max3A_611, %broadcast_in_dim3A_675 : vector<16xi1>, vector<16xf32>
    %add3A_677 = arith.addf %select_n3A_670, %select_n3A_676 : vector<16xf32>
    %swap3A_678 = arith.constant 1 : i32
    %swap3A_679 = arith.index_cast %swap3A_678 : i32 to index
    %swap3A_680 = arith.constant 16 : index
    %swap3A_681 = tpu.vector_load %arg5[%swap3A_679, %swap3A_680] {strides = array<i32>} : memref<8x64xf32, #tpu.memory_space<vmem>>, vector<1x16xf32>,
    %swap3A_682 = vector.shape_cast %swap3A_681 : vector<1x16xf32> to vector<16xf32>
    %swap3A_683 = vector.shape_cast %add3A_677 : vector<16xf32> to vector<1x16xf32>
    tpu.vector_store %arg5[%swap3A_679, %swap3A_680], %swap3A_683 {strides = array<i32>} : memref<8x64xf32, #tpu.memory_space<vmem>>, vector<1x16xf32>,
    %eq3A_684 = arith.constant 2 : i32
    %eq3A_685 = vector.broadcast %eq3A_684 : i32 to vector<16xi32>
    %eq3A_686 = arith.cmpi eq, %select_n3A_556, %eq3A_685 : vector<16xi32>
    %jit3A_687 = arith.constant 0.000000e+00 : f32
    %broadcast_in_dim3A_688 = vector.broadcast %jit3A_687 : f32 to vector<16xf32>
    %select_n3A_689 = arith.select %eq3A_686, %max3A_522, %broadcast_in_dim3A_688 : vector<16xi1>, vector<16xf32>
    %eq3A_690 = arith.constant 2 : i32
    %eq3A_691 = vector.broadcast %eq3A_690 : i32 to vector<16xi32>
    %eq3A_692 = arith.cmpi eq, %select_n3A_645, %eq3A_691 : vector<16xi32>
    %jit3A_693 = arith.constant 0.000000e+00 : f32
    %broadcast_in_dim3A_694 = vector.broadcast %jit3A_693 : f32 to vector<16xf32>
    %select_n3A_695 = arith.select %eq3A_692, %max3A_611, %broadcast_in_dim3A_694 : vector<16xi1>, vector<16xf32>
    %add3A_696 = arith.addf %select_n3A_689, %select_n3A_695 : vector<16xf32>
    %swap3A_697 = arith.constant 2 : i32
    %swap3A_698 = arith.index_cast %swap3A_697 : i32 to index
    %swap3A_699 = arith.constant 16 : index
    %swap3A_700 = tpu.vector_load %arg5[%swap3A_698, %swap3A_699] {strides = array<i32>} : memref<8x64xf32, #tpu.memory_space<vmem>>, vector<1x16xf32>,
    %swap3A_701 = vector.shape_cast %swap3A_700 : vector<1x16xf32> to vector<16xf32>
    %swap3A_702 = vector.shape_cast %add3A_696 : vector<16xf32> to vector<1x16xf32>
    tpu.vector_store %arg5[%swap3A_698, %swap3A_699], %swap3A_702 {strides = array<i32>} : memref<8x64xf32, #tpu.memory_space<vmem>>, vector<1x16xf32>,
    %eq3A_703 = arith.constant 3 : i32
    %eq3A_704 = vector.broadcast %eq3A_703 : i32 to vector<16xi32>
    %eq3A_705 = arith.cmpi eq, %select_n3A_556, %eq3A_704 : vector<16xi32>
    %jit3A_706 = arith.constant 0.000000e+00 : f32
    %broadcast_in_dim3A_707 = vector.broadcast %jit3A_706 : f32 to vector<16xf32>
    %select_n3A_708 = arith.select %eq3A_705, %max3A_522, %broadcast_in_dim3A_707 : vector<16xi1>, vector<16xf32>
    %eq3A_709 = arith.constant 3 : i32
    %eq3A_710 = vector.broadcast %eq3A_709 : i32 to vector<16xi32>
    %eq3A_711 = arith.cmpi eq, %select_n3A_645, %eq3A_710 : vector<16xi32>
    %jit3A_712 = arith.constant 0.000000e+00 : f32
    %broadcast_in_dim3A_713 = vector.broadcast %jit3A_712 : f32 to vector<16xf32>
    %select_n3A_714 = arith.select %eq3A_711, %max3A_611, %broadcast_in_dim3A_713 : vector<16xi1>, vector<16xf32>
    %add3A_715 = arith.addf %select_n3A_708, %select_n3A_714 : vector<16xf32>
    %swap3A_716 = arith.constant 3 : i32
    %swap3A_717 = arith.index_cast %swap3A_716 : i32 to index
    %swap3A_718 = arith.constant 16 : index
    %swap3A_719 = tpu.vector_load %arg5[%swap3A_717, %swap3A_718] {strides = array<i32>} : memref<8x64xf32, #tpu.memory_space<vmem>>, vector<1x16xf32>,
    %swap3A_720 = vector.shape_cast %swap3A_719 : vector<1x16xf32> to vector<16xf32>
    %swap3A_721 = vector.shape_cast %add3A_715 : vector<16xf32> to vector<1x16xf32>
    tpu.vector_store %arg5[%swap3A_717, %swap3A_718], %swap3A_721 {strides = array<i32>} : memref<8x64xf32, #tpu.memory_space<vmem>>, vector<1x16xf32>,
    %eq3A_722 = arith.constant 4 : i32
    %eq3A_723 = vector.broadcast %eq3A_722 : i32 to vector<16xi32>
    %eq3A_724 = arith.cmpi eq, %select_n3A_556, %eq3A_723 : vector<16xi32>
    %jit3A_725 = arith.constant 0.000000e+00 : f32
    %broadcast_in_dim3A_726 = vector.broadcast %jit3A_725 : f32 to vector<16xf32>
    %select_n3A_727 = arith.select %eq3A_724, %max3A_522, %broadcast_in_dim3A_726 : vector<16xi1>, vector<16xf32>
    %eq3A_728 = arith.constant 4 : i32
    %eq3A_729 = vector.broadcast %eq3A_728 : i32 to vector<16xi32>
    %eq3A_730 = arith.cmpi eq, %select_n3A_645, %eq3A_729 : vector<16xi32>
    %jit3A_731 = arith.constant 0.000000e+00 : f32
    %broadcast_in_dim3A_732 = vector.broadcast %jit3A_731 : f32 to vector<16xf32>
    %select_n3A_733 = arith.select %eq3A_730, %max3A_611, %broadcast_in_dim3A_732 : vector<16xi1>, vector<16xf32>
    %add3A_734 = arith.addf %select_n3A_727, %select_n3A_733 : vector<16xf32>
    %swap3A_735 = arith.constant 4 : i32
    %swap3A_736 = arith.index_cast %swap3A_735 : i32 to index
    %swap3A_737 = arith.constant 16 : index
    %swap3A_738 = tpu.vector_load %arg5[%swap3A_736, %swap3A_737] {strides = array<i32>} : memref<8x64xf32, #tpu.memory_space<vmem>>, vector<1x16xf32>,
    %swap3A_739 = vector.shape_cast %swap3A_738 : vector<1x16xf32> to vector<16xf32>
    %swap3A_740 = vector.shape_cast %add3A_734 : vector<16xf32> to vector<1x16xf32>
    tpu.vector_store %arg5[%swap3A_736, %swap3A_737], %swap3A_740 {strides = array<i32>} : memref<8x64xf32, #tpu.memory_space<vmem>>, vector<1x16xf32>,
    %eq3A_741 = arith.constant 5 : i32
    %eq3A_742 = vector.broadcast %eq3A_741 : i32 to vector<16xi32>
    %eq3A_743 = arith.cmpi eq, %select_n3A_556, %eq3A_742 : vector<16xi32>
    %jit3A_744 = arith.constant 0.000000e+00 : f32
    %broadcast_in_dim3A_745 = vector.broadcast %jit3A_744 : f32 to vector<16xf32>
    %select_n3A_746 = arith.select %eq3A_743, %max3A_522, %broadcast_in_dim3A_745 : vector<16xi1>, vector<16xf32>
    %eq3A_747 = arith.constant 5 : i32
    %eq3A_748 = vector.broadcast %eq3A_747 : i32 to vector<16xi32>
    %eq3A_749 = arith.cmpi eq, %select_n3A_645, %eq3A_748 : vector<16xi32>
    %jit3A_750 = arith.constant 0.000000e+00 : f32
    %broadcast_in_dim3A_751 = vector.broadcast %jit3A_750 : f32 to vector<16xf32>
    %select_n3A_752 = arith.select %eq3A_749, %max3A_611, %broadcast_in_dim3A_751 : vector<16xi1>, vector<16xf32>
    %add3A_753 = arith.addf %select_n3A_746, %select_n3A_752 : vector<16xf32>
    %swap3A_754 = arith.constant 5 : i32
    %swap3A_755 = arith.index_cast %swap3A_754 : i32 to index
    %swap3A_756 = arith.constant 16 : index
    %swap3A_757 = tpu.vector_load %arg5[%swap3A_755, %swap3A_756] {strides = array<i32>} : memref<8x64xf32, #tpu.memory_space<vmem>>, vector<1x16xf32>,
    %swap3A_758 = vector.shape_cast %swap3A_757 : vector<1x16xf32> to vector<16xf32>
    %swap3A_759 = vector.shape_cast %add3A_753 : vector<16xf32> to vector<1x16xf32>
    tpu.vector_store %arg5[%swap3A_755, %swap3A_756], %swap3A_759 {strides = array<i32>} : memref<8x64xf32, #tpu.memory_space<vmem>>, vector<1x16xf32>,
    %eq3A_760 = arith.constant 6 : i32
    %eq3A_761 = vector.broadcast %eq3A_760 : i32 to vector<16xi32>
    %eq3A_762 = arith.cmpi eq, %select_n3A_556, %eq3A_761 : vector<16xi32>
    %jit3A_763 = arith.constant 0.000000e+00 : f32
    %broadcast_in_dim3A_764 = vector.broadcast %jit3A_763 : f32 to vector<16xf32>
    %select_n3A_765 = arith.select %eq3A_762, %max3A_522, %broadcast_in_dim3A_764 : vector<16xi1>, vector<16xf32>
    %eq3A_766 = arith.constant 6 : i32
    %eq3A_767 = vector.broadcast %eq3A_766 : i32 to vector<16xi32>
    %eq3A_768 = arith.cmpi eq, %select_n3A_645, %eq3A_767 : vector<16xi32>
    %jit3A_769 = arith.constant 0.000000e+00 : f32
    %broadcast_in_dim3A_770 = vector.broadcast %jit3A_769 : f32 to vector<16xf32>
    %select_n3A_771 = arith.select %eq3A_768, %max3A_611, %broadcast_in_dim3A_770 : vector<16xi1>, vector<16xf32>
    %add3A_772 = arith.addf %select_n3A_765, %select_n3A_771 : vector<16xf32>
    %swap3A_773 = arith.constant 6 : i32
    %swap3A_774 = arith.index_cast %swap3A_773 : i32 to index
    %swap3A_775 = arith.constant 16 : index
    %swap3A_776 = tpu.vector_load %arg5[%swap3A_774, %swap3A_775] {strides = array<i32>} : memref<8x64xf32, #tpu.memory_space<vmem>>, vector<1x16xf32>,
    %swap3A_777 = vector.shape_cast %swap3A_776 : vector<1x16xf32> to vector<16xf32>
    %swap3A_778 = vector.shape_cast %add3A_772 : vector<16xf32> to vector<1x16xf32>
    tpu.vector_store %arg5[%swap3A_774, %swap3A_775], %swap3A_778 {strides = array<i32>} : memref<8x64xf32, #tpu.memory_space<vmem>>, vector<1x16xf32>,
    %eq3A_779 = arith.constant 7 : i32
    %eq3A_780 = vector.broadcast %eq3A_779 : i32 to vector<16xi32>
    %eq3A_781 = arith.cmpi eq, %select_n3A_556, %eq3A_780 : vector<16xi32>
    %jit3A_782 = arith.constant 0.000000e+00 : f32
    %broadcast_in_dim3A_783 = vector.broadcast %jit3A_782 : f32 to vector<16xf32>
    %select_n3A_784 = arith.select %eq3A_781, %max3A_522, %broadcast_in_dim3A_783 : vector<16xi1>, vector<16xf32>
    %eq3A_785 = arith.constant 7 : i32
    %eq3A_786 = vector.broadcast %eq3A_785 : i32 to vector<16xi32>
    %eq3A_787 = arith.cmpi eq, %select_n3A_645, %eq3A_786 : vector<16xi32>
    %jit3A_788 = arith.constant 0.000000e+00 : f32
    %broadcast_in_dim3A_789 = vector.broadcast %jit3A_788 : f32 to vector<16xf32>
    %select_n3A_790 = arith.select %eq3A_787, %max3A_611, %broadcast_in_dim3A_789 : vector<16xi1>, vector<16xf32>
    %add3A_791 = arith.addf %select_n3A_784, %select_n3A_790 : vector<16xf32>
    %swap3A_792 = arith.constant 7 : i32
    %swap3A_793 = arith.index_cast %swap3A_792 : i32 to index
    %swap3A_794 = arith.constant 16 : index
    %swap3A_795 = tpu.vector_load %arg5[%swap3A_793, %swap3A_794] {strides = array<i32>} : memref<8x64xf32, #tpu.memory_space<vmem>>, vector<1x16xf32>,
    %swap3A_796 = vector.shape_cast %swap3A_795 : vector<1x16xf32> to vector<16xf32>
    %swap3A_797 = vector.shape_cast %add3A_791 : vector<16xf32> to vector<1x16xf32>
    tpu.vector_store %arg5[%swap3A_793, %swap3A_794], %swap3A_797 {strides = array<i32>} : memref<8x64xf32, #tpu.memory_space<vmem>>, vector<1x16xf32>,
    %get3A_798 = arith.constant 0 : i32
    %get3A_799 = arith.index_cast %get3A_798 : i32 to index
    %get3A_800 = arith.constant 32 : index
    %get3A_801 = tpu.vector_load %arg4[%get3A_799, %get3A_800] {strides = array<i32>} : memref<8x64xf32, #tpu.memory_space<vmem>>, vector<1x16xf32>,
    %get3A_802 = vector.shape_cast %get3A_801 : vector<1x16xf32> to vector<16xf32>
    %get3A_803 = arith.constant 1 : i32
    %get3A_804 = arith.index_cast %get3A_803 : i32 to index
    %get3A_805 = arith.constant 32 : index
    %get3A_806 = tpu.vector_load %arg4[%get3A_804, %get3A_805] {strides = array<i32>} : memref<8x64xf32, #tpu.memory_space<vmem>>, vector<1x16xf32>,
    %get3A_807 = vector.shape_cast %get3A_806 : vector<1x16xf32> to vector<16xf32>
    %get3A_808 = arith.constant 2 : i32
    %get3A_809 = arith.index_cast %get3A_808 : i32 to index
    %get3A_810 = arith.constant 32 : index
    %get3A_811 = tpu.vector_load %arg4[%get3A_809, %get3A_810] {strides = array<i32>} : memref<8x64xf32, #tpu.memory_space<vmem>>, vector<1x16xf32>,
    %get3A_812 = vector.shape_cast %get3A_811 : vector<1x16xf32> to vector<16xf32>
    %get3A_813 = arith.constant 3 : i32
    %get3A_814 = arith.index_cast %get3A_813 : i32 to index
    %get3A_815 = arith.constant 32 : index
    %get3A_816 = tpu.vector_load %arg4[%get3A_814, %get3A_815] {strides = array<i32>} : memref<8x64xf32, #tpu.memory_space<vmem>>, vector<1x16xf32>,
    %get3A_817 = vector.shape_cast %get3A_816 : vector<1x16xf32> to vector<16xf32>
    %get3A_818 = arith.constant 4 : i32
    %get3A_819 = arith.index_cast %get3A_818 : i32 to index
    %get3A_820 = arith.constant 32 : index
    %get3A_821 = tpu.vector_load %arg4[%get3A_819, %get3A_820] {strides = array<i32>} : memref<8x64xf32, #tpu.memory_space<vmem>>, vector<1x16xf32>,
    %get3A_822 = vector.shape_cast %get3A_821 : vector<1x16xf32> to vector<16xf32>
    %get3A_823 = arith.constant 5 : i32
    %get3A_824 = arith.index_cast %get3A_823 : i32 to index
    %get3A_825 = arith.constant 32 : index
    %get3A_826 = tpu.vector_load %arg4[%get3A_824, %get3A_825] {strides = array<i32>} : memref<8x64xf32, #tpu.memory_space<vmem>>, vector<1x16xf32>,
    %get3A_827 = vector.shape_cast %get3A_826 : vector<1x16xf32> to vector<16xf32>
    %get3A_828 = arith.constant 6 : i32
    %get3A_829 = arith.index_cast %get3A_828 : i32 to index
    %get3A_830 = arith.constant 32 : index
    %get3A_831 = tpu.vector_load %arg4[%get3A_829, %get3A_830] {strides = array<i32>} : memref<8x64xf32, #tpu.memory_space<vmem>>, vector<1x16xf32>,
    %get3A_832 = vector.shape_cast %get3A_831 : vector<1x16xf32> to vector<16xf32>
    %get3A_833 = arith.constant 7 : i32
    %get3A_834 = arith.index_cast %get3A_833 : i32 to index
    %get3A_835 = arith.constant 32 : index
    %get3A_836 = tpu.vector_load %arg4[%get3A_834, %get3A_835] {strides = array<i32>} : memref<8x64xf32, #tpu.memory_space<vmem>>, vector<1x16xf32>,
    %get3A_837 = vector.shape_cast %get3A_836 : vector<1x16xf32> to vector<16xf32>
    %max3A_838 = arith.maximumf %get3A_802, %get3A_807 : vector<16xf32>
    %max3A_839 = arith.maximumf %max3A_838, %get3A_812 : vector<16xf32>
    %max3A_840 = arith.maximumf %max3A_839, %get3A_817 : vector<16xf32>
    %max3A_841 = arith.maximumf %max3A_840, %get3A_822 : vector<16xf32>
    %max3A_842 = arith.maximumf %max3A_841, %get3A_827 : vector<16xf32>
    %max3A_843 = arith.maximumf %max3A_842, %get3A_832 : vector<16xf32>
    %max3A_844 = arith.maximumf %max3A_843, %get3A_837 : vector<16xf32>
    %broadcast_in_dim3A_845 = arith.constant 8 : i32
    %broadcast_in_dim3A_846 = vector.broadcast %broadcast_in_dim3A_845 : i32 to vector<16xi32>
    %eq3A_847 = arith.cmpf oeq, %get3A_837, %max3A_844 : vector<16xf32>
    %jit3A_848 = arith.constant 7 : i32
    %broadcast_in_dim3A_849 = vector.broadcast %jit3A_848 : i32 to vector<16xi32>
    %select_n3A_850 = arith.select %eq3A_847, %broadcast_in_dim3A_849, %broadcast_in_dim3A_846 : vector<16xi1>, vector<16xi32>
    %eq3A_851 = arith.cmpf oeq, %get3A_832, %max3A_844 : vector<16xf32>
    %jit3A_852 = arith.constant 6 : i32
    %broadcast_in_dim3A_853 = vector.broadcast %jit3A_852 : i32 to vector<16xi32>
    %select_n3A_854 = arith.select %eq3A_851, %broadcast_in_dim3A_853, %select_n3A_850 : vector<16xi1>, vector<16xi32>
    %eq3A_855 = arith.cmpf oeq, %get3A_827, %max3A_844 : vector<16xf32>
    %jit3A_856 = arith.constant 5 : i32
    %broadcast_in_dim3A_857 = vector.broadcast %jit3A_856 : i32 to vector<16xi32>
    %select_n3A_858 = arith.select %eq3A_855, %broadcast_in_dim3A_857, %select_n3A_854 : vector<16xi1>, vector<16xi32>
    %eq3A_859 = arith.cmpf oeq, %get3A_822, %max3A_844 : vector<16xf32>
    %jit3A_860 = arith.constant 4 : i32
    %broadcast_in_dim3A_861 = vector.broadcast %jit3A_860 : i32 to vector<16xi32>
    %select_n3A_862 = arith.select %eq3A_859, %broadcast_in_dim3A_861, %select_n3A_858 : vector<16xi1>, vector<16xi32>
    %eq3A_863 = arith.cmpf oeq, %get3A_817, %max3A_844 : vector<16xf32>
    %jit3A_864 = arith.constant 3 : i32
    %broadcast_in_dim3A_865 = vector.broadcast %jit3A_864 : i32 to vector<16xi32>
    %select_n3A_866 = arith.select %eq3A_863, %broadcast_in_dim3A_865, %select_n3A_862 : vector<16xi1>, vector<16xi32>
    %eq3A_867 = arith.cmpf oeq, %get3A_812, %max3A_844 : vector<16xf32>
    %jit3A_868 = arith.constant 2 : i32
    %broadcast_in_dim3A_869 = vector.broadcast %jit3A_868 : i32 to vector<16xi32>
    %select_n3A_870 = arith.select %eq3A_867, %broadcast_in_dim3A_869, %select_n3A_866 : vector<16xi1>, vector<16xi32>
    %eq3A_871 = arith.cmpf oeq, %get3A_807, %max3A_844 : vector<16xf32>
    %jit3A_872 = arith.constant 1 : i32
    %broadcast_in_dim3A_873 = vector.broadcast %jit3A_872 : i32 to vector<16xi32>
    %select_n3A_874 = arith.select %eq3A_871, %broadcast_in_dim3A_873, %select_n3A_870 : vector<16xi1>, vector<16xi32>
    %eq3A_875 = arith.cmpf oeq, %get3A_802, %max3A_844 : vector<16xf32>
    %jit3A_876 = arith.constant 0 : i32
    %broadcast_in_dim3A_877 = vector.broadcast %jit3A_876 : i32 to vector<16xi32>
    %select_n3A_878 = arith.select %eq3A_875, %broadcast_in_dim3A_877, %select_n3A_874 : vector<16xi1>, vector<16xi32>
    %eq3A_879 = arith.constant 0 : i32
    %eq3A_880 = vector.broadcast %eq3A_879 : i32 to vector<16xi32>
    %eq3A_881 = arith.cmpi eq, %select_n3A_878, %eq3A_880 : vector<16xi32>
    %jit3A_882 = arith.constant -1.000000e+00 : f32
    %broadcast_in_dim3A_883 = vector.broadcast %jit3A_882 : f32 to vector<16xf32>
    %select_n3A_884 = arith.select %eq3A_881, %broadcast_in_dim3A_883, %get3A_802 : vector<16xi1>, vector<16xf32>
    %eq3A_885 = arith.constant 1 : i32
    %eq3A_886 = vector.broadcast %eq3A_885 : i32 to vector<16xi32>
    %eq3A_887 = arith.cmpi eq, %select_n3A_878, %eq3A_886 : vector<16xi32>
    %jit3A_888 = arith.constant -1.000000e+00 : f32
    %broadcast_in_dim3A_889 = vector.broadcast %jit3A_888 : f32 to vector<16xf32>
    %select_n3A_890 = arith.select %eq3A_887, %broadcast_in_dim3A_889, %get3A_807 : vector<16xi1>, vector<16xf32>
    %eq3A_891 = arith.constant 2 : i32
    %eq3A_892 = vector.broadcast %eq3A_891 : i32 to vector<16xi32>
    %eq3A_893 = arith.cmpi eq, %select_n3A_878, %eq3A_892 : vector<16xi32>
    %jit3A_894 = arith.constant -1.000000e+00 : f32
    %broadcast_in_dim3A_895 = vector.broadcast %jit3A_894 : f32 to vector<16xf32>
    %select_n3A_896 = arith.select %eq3A_893, %broadcast_in_dim3A_895, %get3A_812 : vector<16xi1>, vector<16xf32>
    %eq3A_897 = arith.constant 3 : i32
    %eq3A_898 = vector.broadcast %eq3A_897 : i32 to vector<16xi32>
    %eq3A_899 = arith.cmpi eq, %select_n3A_878, %eq3A_898 : vector<16xi32>
    %jit3A_900 = arith.constant -1.000000e+00 : f32
    %broadcast_in_dim3A_901 = vector.broadcast %jit3A_900 : f32 to vector<16xf32>
    %select_n3A_902 = arith.select %eq3A_899, %broadcast_in_dim3A_901, %get3A_817 : vector<16xi1>, vector<16xf32>
    %eq3A_903 = arith.constant 4 : i32
    %eq3A_904 = vector.broadcast %eq3A_903 : i32 to vector<16xi32>
    %eq3A_905 = arith.cmpi eq, %select_n3A_878, %eq3A_904 : vector<16xi32>
    %jit3A_906 = arith.constant -1.000000e+00 : f32
    %broadcast_in_dim3A_907 = vector.broadcast %jit3A_906 : f32 to vector<16xf32>
    %select_n3A_908 = arith.select %eq3A_905, %broadcast_in_dim3A_907, %get3A_822 : vector<16xi1>, vector<16xf32>
    %eq3A_909 = arith.constant 5 : i32
    %eq3A_910 = vector.broadcast %eq3A_909 : i32 to vector<16xi32>
    %eq3A_911 = arith.cmpi eq, %select_n3A_878, %eq3A_910 : vector<16xi32>
    %jit3A_912 = arith.constant -1.000000e+00 : f32
    %broadcast_in_dim3A_913 = vector.broadcast %jit3A_912 : f32 to vector<16xf32>
    %select_n3A_914 = arith.select %eq3A_911, %broadcast_in_dim3A_913, %get3A_827 : vector<16xi1>, vector<16xf32>
    %eq3A_915 = arith.constant 6 : i32
    %eq3A_916 = vector.broadcast %eq3A_915 : i32 to vector<16xi32>
    %eq3A_917 = arith.cmpi eq, %select_n3A_878, %eq3A_916 : vector<16xi32>
    %jit3A_918 = arith.constant -1.000000e+00 : f32
    %broadcast_in_dim3A_919 = vector.broadcast %jit3A_918 : f32 to vector<16xf32>
    %select_n3A_920 = arith.select %eq3A_917, %broadcast_in_dim3A_919, %get3A_832 : vector<16xi1>, vector<16xf32>
    %eq3A_921 = arith.constant 7 : i32
    %eq3A_922 = vector.broadcast %eq3A_921 : i32 to vector<16xi32>
    %eq3A_923 = arith.cmpi eq, %select_n3A_878, %eq3A_922 : vector<16xi32>
    %jit3A_924 = arith.constant -1.000000e+00 : f32
    %broadcast_in_dim3A_925 = vector.broadcast %jit3A_924 : f32 to vector<16xf32>
    %select_n3A_926 = arith.select %eq3A_923, %broadcast_in_dim3A_925, %get3A_837 : vector<16xi1>, vector<16xf32>
    %max3A_927 = arith.maximumf %select_n3A_884, %select_n3A_890 : vector<16xf32>
    %max3A_928 = arith.maximumf %max3A_927, %select_n3A_896 : vector<16xf32>
    %max3A_929 = arith.maximumf %max3A_928, %select_n3A_902 : vector<16xf32>
    %max3A_930 = arith.maximumf %max3A_929, %select_n3A_908 : vector<16xf32>
    %max3A_931 = arith.maximumf %max3A_930, %select_n3A_914 : vector<16xf32>
    %max3A_932 = arith.maximumf %max3A_931, %select_n3A_920 : vector<16xf32>
    %max3A_933 = arith.maximumf %max3A_932, %select_n3A_926 : vector<16xf32>
    %broadcast_in_dim3A_934 = arith.constant 8 : i32
    %broadcast_in_dim3A_935 = vector.broadcast %broadcast_in_dim3A_934 : i32 to vector<16xi32>
    %eq3A_936 = arith.cmpf oeq, %select_n3A_926, %max3A_933 : vector<16xf32>
    %jit3A_937 = arith.constant 7 : i32
    %broadcast_in_dim3A_938 = vector.broadcast %jit3A_937 : i32 to vector<16xi32>
    %select_n3A_939 = arith.select %eq3A_936, %broadcast_in_dim3A_938, %broadcast_in_dim3A_935 : vector<16xi1>, vector<16xi32>
    %eq3A_940 = arith.cmpf oeq, %select_n3A_920, %max3A_933 : vector<16xf32>
    %jit3A_941 = arith.constant 6 : i32
    %broadcast_in_dim3A_942 = vector.broadcast %jit3A_941 : i32 to vector<16xi32>
    %select_n3A_943 = arith.select %eq3A_940, %broadcast_in_dim3A_942, %select_n3A_939 : vector<16xi1>, vector<16xi32>
    %eq3A_944 = arith.cmpf oeq, %select_n3A_914, %max3A_933 : vector<16xf32>
    %jit3A_945 = arith.constant 5 : i32
    %broadcast_in_dim3A_946 = vector.broadcast %jit3A_945 : i32 to vector<16xi32>
    %select_n3A_947 = arith.select %eq3A_944, %broadcast_in_dim3A_946, %select_n3A_943 : vector<16xi1>, vector<16xi32>
    %eq3A_948 = arith.cmpf oeq, %select_n3A_908, %max3A_933 : vector<16xf32>
    %jit3A_949 = arith.constant 4 : i32
    %broadcast_in_dim3A_950 = vector.broadcast %jit3A_949 : i32 to vector<16xi32>
    %select_n3A_951 = arith.select %eq3A_948, %broadcast_in_dim3A_950, %select_n3A_947 : vector<16xi1>, vector<16xi32>
    %eq3A_952 = arith.cmpf oeq, %select_n3A_902, %max3A_933 : vector<16xf32>
    %jit3A_953 = arith.constant 3 : i32
    %broadcast_in_dim3A_954 = vector.broadcast %jit3A_953 : i32 to vector<16xi32>
    %select_n3A_955 = arith.select %eq3A_952, %broadcast_in_dim3A_954, %select_n3A_951 : vector<16xi1>, vector<16xi32>
    %eq3A_956 = arith.cmpf oeq, %select_n3A_896, %max3A_933 : vector<16xf32>
    %jit3A_957 = arith.constant 2 : i32
    %broadcast_in_dim3A_958 = vector.broadcast %jit3A_957 : i32 to vector<16xi32>
    %select_n3A_959 = arith.select %eq3A_956, %broadcast_in_dim3A_958, %select_n3A_955 : vector<16xi1>, vector<16xi32>
    %eq3A_960 = arith.cmpf oeq, %select_n3A_890, %max3A_933 : vector<16xf32>
    %jit3A_961 = arith.constant 1 : i32
    %broadcast_in_dim3A_962 = vector.broadcast %jit3A_961 : i32 to vector<16xi32>
    %select_n3A_963 = arith.select %eq3A_960, %broadcast_in_dim3A_962, %select_n3A_959 : vector<16xi1>, vector<16xi32>
    %eq3A_964 = arith.cmpf oeq, %select_n3A_884, %max3A_933 : vector<16xf32>
    %jit3A_965 = arith.constant 0 : i32
    %broadcast_in_dim3A_966 = vector.broadcast %jit3A_965 : i32 to vector<16xi32>
    %select_n3A_967 = arith.select %eq3A_964, %broadcast_in_dim3A_966, %select_n3A_963 : vector<16xi1>, vector<16xi32>
    %eq3A_968 = arith.constant 0 : i32
    %eq3A_969 = vector.broadcast %eq3A_968 : i32 to vector<16xi32>
    %eq3A_970 = arith.cmpi eq, %select_n3A_878, %eq3A_969 : vector<16xi32>
    %jit3A_971 = arith.constant 0.000000e+00 : f32
    %broadcast_in_dim3A_972 = vector.broadcast %jit3A_971 : f32 to vector<16xf32>
    %select_n3A_973 = arith.select %eq3A_970, %max3A_844, %broadcast_in_dim3A_972 : vector<16xi1>, vector<16xf32>
    %eq3A_974 = arith.constant 0 : i32
    %eq3A_975 = vector.broadcast %eq3A_974 : i32 to vector<16xi32>
    %eq3A_976 = arith.cmpi eq, %select_n3A_967, %eq3A_975 : vector<16xi32>
    %jit3A_977 = arith.constant 0.000000e+00 : f32
    %broadcast_in_dim3A_978 = vector.broadcast %jit3A_977 : f32 to vector<16xf32>
    %select_n3A_979 = arith.select %eq3A_976, %max3A_933, %broadcast_in_dim3A_978 : vector<16xi1>, vector<16xf32>
    %add3A_980 = arith.addf %select_n3A_973, %select_n3A_979 : vector<16xf32>
    %swap3A_981 = arith.constant 0 : i32
    %swap3A_982 = arith.index_cast %swap3A_981 : i32 to index
    %swap3A_983 = arith.constant 32 : index
    %swap3A_984 = tpu.vector_load %arg5[%swap3A_982, %swap3A_983] {strides = array<i32>} : memref<8x64xf32, #tpu.memory_space<vmem>>, vector<1x16xf32>,
    %swap3A_985 = vector.shape_cast %swap3A_984 : vector<1x16xf32> to vector<16xf32>
    %swap3A_986 = vector.shape_cast %add3A_980 : vector<16xf32> to vector<1x16xf32>
    tpu.vector_store %arg5[%swap3A_982, %swap3A_983], %swap3A_986 {strides = array<i32>} : memref<8x64xf32, #tpu.memory_space<vmem>>, vector<1x16xf32>,
    %eq3A_987 = arith.constant 1 : i32
    %eq3A_988 = vector.broadcast %eq3A_987 : i32 to vector<16xi32>
    %eq3A_989 = arith.cmpi eq, %select_n3A_878, %eq3A_988 : vector<16xi32>
    %jit3A_990 = arith.constant 0.000000e+00 : f32
    %broadcast_in_dim3A_991 = vector.broadcast %jit3A_990 : f32 to vector<16xf32>
    %select_n3A_992 = arith.select %eq3A_989, %max3A_844, %broadcast_in_dim3A_991 : vector<16xi1>, vector<16xf32>
    %eq3A_993 = arith.constant 1 : i32
    %eq3A_994 = vector.broadcast %eq3A_993 : i32 to vector<16xi32>
    %eq3A_995 = arith.cmpi eq, %select_n3A_967, %eq3A_994 : vector<16xi32>
    %jit3A_996 = arith.constant 0.000000e+00 : f32
    %broadcast_in_dim3A_997 = vector.broadcast %jit3A_996 : f32 to vector<16xf32>
    %select_n3A_998 = arith.select %eq3A_995, %max3A_933, %broadcast_in_dim3A_997 : vector<16xi1>, vector<16xf32>
    %add3A_999 = arith.addf %select_n3A_992, %select_n3A_998 : vector<16xf32>
    %swap3A_1000 = arith.constant 1 : i32
    %swap3A_1001 = arith.index_cast %swap3A_1000 : i32 to index
    %swap3A_1002 = arith.constant 32 : index
    %swap3A_1003 = tpu.vector_load %arg5[%swap3A_1001, %swap3A_1002] {strides = array<i32>} : memref<8x64xf32, #tpu.memory_space<vmem>>, vector<1x16xf32>,
    %swap3A_1004 = vector.shape_cast %swap3A_1003 : vector<1x16xf32> to vector<16xf32>
    %swap3A_1005 = vector.shape_cast %add3A_999 : vector<16xf32> to vector<1x16xf32>
    tpu.vector_store %arg5[%swap3A_1001, %swap3A_1002], %swap3A_1005 {strides = array<i32>} : memref<8x64xf32, #tpu.memory_space<vmem>>, vector<1x16xf32>,
    %eq3A_1006 = arith.constant 2 : i32
    %eq3A_1007 = vector.broadcast %eq3A_1006 : i32 to vector<16xi32>
    %eq3A_1008 = arith.cmpi eq, %select_n3A_878, %eq3A_1007 : vector<16xi32>
    %jit3A_1009 = arith.constant 0.000000e+00 : f32
    %broadcast_in_dim3A_1010 = vector.broadcast %jit3A_1009 : f32 to vector<16xf32>
    %select_n3A_1011 = arith.select %eq3A_1008, %max3A_844, %broadcast_in_dim3A_1010 : vector<16xi1>, vector<16xf32>
    %eq3A_1012 = arith.constant 2 : i32
    %eq3A_1013 = vector.broadcast %eq3A_1012 : i32 to vector<16xi32>
    %eq3A_1014 = arith.cmpi eq, %select_n3A_967, %eq3A_1013 : vector<16xi32>
    %jit3A_1015 = arith.constant 0.000000e+00 : f32
    %broadcast_in_dim3A_1016 = vector.broadcast %jit3A_1015 : f32 to vector<16xf32>
    %select_n3A_1017 = arith.select %eq3A_1014, %max3A_933, %broadcast_in_dim3A_1016 : vector<16xi1>, vector<16xf32>
    %add3A_1018 = arith.addf %select_n3A_1011, %select_n3A_1017 : vector<16xf32>
    %swap3A_1019 = arith.constant 2 : i32
    %swap3A_1020 = arith.index_cast %swap3A_1019 : i32 to index
    %swap3A_1021 = arith.constant 32 : index
    %swap3A_1022 = tpu.vector_load %arg5[%swap3A_1020, %swap3A_1021] {strides = array<i32>} : memref<8x64xf32, #tpu.memory_space<vmem>>, vector<1x16xf32>,
    %swap3A_1023 = vector.shape_cast %swap3A_1022 : vector<1x16xf32> to vector<16xf32>
    %swap3A_1024 = vector.shape_cast %add3A_1018 : vector<16xf32> to vector<1x16xf32>
    tpu.vector_store %arg5[%swap3A_1020, %swap3A_1021], %swap3A_1024 {strides = array<i32>} : memref<8x64xf32, #tpu.memory_space<vmem>>, vector<1x16xf32>,
    %eq3A_1025 = arith.constant 3 : i32
    %eq3A_1026 = vector.broadcast %eq3A_1025 : i32 to vector<16xi32>
    %eq3A_1027 = arith.cmpi eq, %select_n3A_878, %eq3A_1026 : vector<16xi32>
    %jit3A_1028 = arith.constant 0.000000e+00 : f32
    %broadcast_in_dim3A_1029 = vector.broadcast %jit3A_1028 : f32 to vector<16xf32>
    %select_n3A_1030 = arith.select %eq3A_1027, %max3A_844, %broadcast_in_dim3A_1029 : vector<16xi1>, vector<16xf32>
    %eq3A_1031 = arith.constant 3 : i32
    %eq3A_1032 = vector.broadcast %eq3A_1031 : i32 to vector<16xi32>
    %eq3A_1033 = arith.cmpi eq, %select_n3A_967, %eq3A_1032 : vector<16xi32>
    %jit3A_1034 = arith.constant 0.000000e+00 : f32
    %broadcast_in_dim3A_1035 = vector.broadcast %jit3A_1034 : f32 to vector<16xf32>
    %select_n3A_1036 = arith.select %eq3A_1033, %max3A_933, %broadcast_in_dim3A_1035 : vector<16xi1>, vector<16xf32>
    %add3A_1037 = arith.addf %select_n3A_1030, %select_n3A_1036 : vector<16xf32>
    %swap3A_1038 = arith.constant 3 : i32
    %swap3A_1039 = arith.index_cast %swap3A_1038 : i32 to index
    %swap3A_1040 = arith.constant 32 : index
    %swap3A_1041 = tpu.vector_load %arg5[%swap3A_1039, %swap3A_1040] {strides = array<i32>} : memref<8x64xf32, #tpu.memory_space<vmem>>, vector<1x16xf32>,
    %swap3A_1042 = vector.shape_cast %swap3A_1041 : vector<1x16xf32> to vector<16xf32>
    %swap3A_1043 = vector.shape_cast %add3A_1037 : vector<16xf32> to vector<1x16xf32>
    tpu.vector_store %arg5[%swap3A_1039, %swap3A_1040], %swap3A_1043 {strides = array<i32>} : memref<8x64xf32, #tpu.memory_space<vmem>>, vector<1x16xf32>,
    %eq3A_1044 = arith.constant 4 : i32
    %eq3A_1045 = vector.broadcast %eq3A_1044 : i32 to vector<16xi32>
    %eq3A_1046 = arith.cmpi eq, %select_n3A_878, %eq3A_1045 : vector<16xi32>
    %jit3A_1047 = arith.constant 0.000000e+00 : f32
    %broadcast_in_dim3A_1048 = vector.broadcast %jit3A_1047 : f32 to vector<16xf32>
    %select_n3A_1049 = arith.select %eq3A_1046, %max3A_844, %broadcast_in_dim3A_1048 : vector<16xi1>, vector<16xf32>
    %eq3A_1050 = arith.constant 4 : i32
    %eq3A_1051 = vector.broadcast %eq3A_1050 : i32 to vector<16xi32>
    %eq3A_1052 = arith.cmpi eq, %select_n3A_967, %eq3A_1051 : vector<16xi32>
    %jit3A_1053 = arith.constant 0.000000e+00 : f32
    %broadcast_in_dim3A_1054 = vector.broadcast %jit3A_1053 : f32 to vector<16xf32>
    %select_n3A_1055 = arith.select %eq3A_1052, %max3A_933, %broadcast_in_dim3A_1054 : vector<16xi1>, vector<16xf32>
    %add3A_1056 = arith.addf %select_n3A_1049, %select_n3A_1055 : vector<16xf32>
    %swap3A_1057 = arith.constant 4 : i32
    %swap3A_1058 = arith.index_cast %swap3A_1057 : i32 to index
    %swap3A_1059 = arith.constant 32 : index
    %swap3A_1060 = tpu.vector_load %arg5[%swap3A_1058, %swap3A_1059] {strides = array<i32>} : memref<8x64xf32, #tpu.memory_space<vmem>>, vector<1x16xf32>,
    %swap3A_1061 = vector.shape_cast %swap3A_1060 : vector<1x16xf32> to vector<16xf32>
    %swap3A_1062 = vector.shape_cast %add3A_1056 : vector<16xf32> to vector<1x16xf32>
    tpu.vector_store %arg5[%swap3A_1058, %swap3A_1059], %swap3A_1062 {strides = array<i32>} : memref<8x64xf32, #tpu.memory_space<vmem>>, vector<1x16xf32>,
    %eq3A_1063 = arith.constant 5 : i32
    %eq3A_1064 = vector.broadcast %eq3A_1063 : i32 to vector<16xi32>
    %eq3A_1065 = arith.cmpi eq, %select_n3A_878, %eq3A_1064 : vector<16xi32>
    %jit3A_1066 = arith.constant 0.000000e+00 : f32
    %broadcast_in_dim3A_1067 = vector.broadcast %jit3A_1066 : f32 to vector<16xf32>
    %select_n3A_1068 = arith.select %eq3A_1065, %max3A_844, %broadcast_in_dim3A_1067 : vector<16xi1>, vector<16xf32>
    %eq3A_1069 = arith.constant 5 : i32
    %eq3A_1070 = vector.broadcast %eq3A_1069 : i32 to vector<16xi32>
    %eq3A_1071 = arith.cmpi eq, %select_n3A_967, %eq3A_1070 : vector<16xi32>
    %jit3A_1072 = arith.constant 0.000000e+00 : f32
    %broadcast_in_dim3A_1073 = vector.broadcast %jit3A_1072 : f32 to vector<16xf32>
    %select_n3A_1074 = arith.select %eq3A_1071, %max3A_933, %broadcast_in_dim3A_1073 : vector<16xi1>, vector<16xf32>
    %add3A_1075 = arith.addf %select_n3A_1068, %select_n3A_1074 : vector<16xf32>
    %swap3A_1076 = arith.constant 5 : i32
    %swap3A_1077 = arith.index_cast %swap3A_1076 : i32 to index
    %swap3A_1078 = arith.constant 32 : index
    %swap3A_1079 = tpu.vector_load %arg5[%swap3A_1077, %swap3A_1078] {strides = array<i32>} : memref<8x64xf32, #tpu.memory_space<vmem>>, vector<1x16xf32>,
    %swap3A_1080 = vector.shape_cast %swap3A_1079 : vector<1x16xf32> to vector<16xf32>
    %swap3A_1081 = vector.shape_cast %add3A_1075 : vector<16xf32> to vector<1x16xf32>
    tpu.vector_store %arg5[%swap3A_1077, %swap3A_1078], %swap3A_1081 {strides = array<i32>} : memref<8x64xf32, #tpu.memory_space<vmem>>, vector<1x16xf32>,
    %eq3A_1082 = arith.constant 6 : i32
    %eq3A_1083 = vector.broadcast %eq3A_1082 : i32 to vector<16xi32>
    %eq3A_1084 = arith.cmpi eq, %select_n3A_878, %eq3A_1083 : vector<16xi32>
    %jit3A_1085 = arith.constant 0.000000e+00 : f32
    %broadcast_in_dim3A_1086 = vector.broadcast %jit3A_1085 : f32 to vector<16xf32>
    %select_n3A_1087 = arith.select %eq3A_1084, %max3A_844, %broadcast_in_dim3A_1086 : vector<16xi1>, vector<16xf32>
    %eq3A_1088 = arith.constant 6 : i32
    %eq3A_1089 = vector.broadcast %eq3A_1088 : i32 to vector<16xi32>
    %eq3A_1090 = arith.cmpi eq, %select_n3A_967, %eq3A_1089 : vector<16xi32>
    %jit3A_1091 = arith.constant 0.000000e+00 : f32
    %broadcast_in_dim3A_1092 = vector.broadcast %jit3A_1091 : f32 to vector<16xf32>
    %select_n3A_1093 = arith.select %eq3A_1090, %max3A_933, %broadcast_in_dim3A_1092 : vector<16xi1>, vector<16xf32>
    %add3A_1094 = arith.addf %select_n3A_1087, %select_n3A_1093 : vector<16xf32>
    %swap3A_1095 = arith.constant 6 : i32
    %swap3A_1096 = arith.index_cast %swap3A_1095 : i32 to index
    %swap3A_1097 = arith.constant 32 : index
    %swap3A_1098 = tpu.vector_load %arg5[%swap3A_1096, %swap3A_1097] {strides = array<i32>} : memref<8x64xf32, #tpu.memory_space<vmem>>, vector<1x16xf32>,
    %swap3A_1099 = vector.shape_cast %swap3A_1098 : vector<1x16xf32> to vector<16xf32>
    %swap3A_1100 = vector.shape_cast %add3A_1094 : vector<16xf32> to vector<1x16xf32>
    tpu.vector_store %arg5[%swap3A_1096, %swap3A_1097], %swap3A_1100 {strides = array<i32>} : memref<8x64xf32, #tpu.memory_space<vmem>>, vector<1x16xf32>,
    %eq3A_1101 = arith.constant 7 : i32
    %eq3A_1102 = vector.broadcast %eq3A_1101 : i32 to vector<16xi32>
    %eq3A_1103 = arith.cmpi eq, %select_n3A_878, %eq3A_1102 : vector<16xi32>
    %jit3A_1104 = arith.constant 0.000000e+00 : f32
    %broadcast_in_dim3A_1105 = vector.broadcast %jit3A_1104 : f32 to vector<16xf32>
    %select_n3A_1106 = arith.select %eq3A_1103, %max3A_844, %broadcast_in_dim3A_1105 : vector<16xi1>, vector<16xf32>
    %eq3A_1107 = arith.constant 7 : i32
    %eq3A_1108 = vector.broadcast %eq3A_1107 : i32 to vector<16xi32>
    %eq3A_1109 = arith.cmpi eq, %select_n3A_967, %eq3A_1108 : vector<16xi32>
    %jit3A_1110 = arith.constant 0.000000e+00 : f32
    %broadcast_in_dim3A_1111 = vector.broadcast %jit3A_1110 : f32 to vector<16xf32>
    %select_n3A_1112 = arith.select %eq3A_1109, %max3A_933, %broadcast_in_dim3A_1111 : vector<16xi1>, vector<16xf32>
    %add3A_1113 = arith.addf %select_n3A_1106, %select_n3A_1112 : vector<16xf32>
    %swap3A_1114 = arith.constant 7 : i32
    %swap3A_1115 = arith.index_cast %swap3A_1114 : i32 to index
    %swap3A_1116 = arith.constant 32 : index
    %swap3A_1117 = tpu.vector_load %arg5[%swap3A_1115, %swap3A_1116] {strides = array<i32>} : memref<8x64xf32, #tpu.memory_space<vmem>>, vector<1x16xf32>,
    %swap3A_1118 = vector.shape_cast %swap3A_1117 : vector<1x16xf32> to vector<16xf32>
    %swap3A_1119 = vector.shape_cast %add3A_1113 : vector<16xf32> to vector<1x16xf32>
    tpu.vector_store %arg5[%swap3A_1115, %swap3A_1116], %swap3A_1119 {strides = array<i32>} : memref<8x64xf32, #tpu.memory_space<vmem>>, vector<1x16xf32>,
    %get3A_1120 = arith.constant 0 : i32
    %get3A_1121 = arith.index_cast %get3A_1120 : i32 to index
    %get3A_1122 = arith.constant 48 : index
    %get3A_1123 = tpu.vector_load %arg4[%get3A_1121, %get3A_1122] {strides = array<i32>} : memref<8x64xf32, #tpu.memory_space<vmem>>, vector<1x16xf32>,
    %get3A_1124 = vector.shape_cast %get3A_1123 : vector<1x16xf32> to vector<16xf32>
    %get3A_1125 = arith.constant 1 : i32
    %get3A_1126 = arith.index_cast %get3A_1125 : i32 to index
    %get3A_1127 = arith.constant 48 : index
    %get3A_1128 = tpu.vector_load %arg4[%get3A_1126, %get3A_1127] {strides = array<i32>} : memref<8x64xf32, #tpu.memory_space<vmem>>, vector<1x16xf32>,
    %get3A_1129 = vector.shape_cast %get3A_1128 : vector<1x16xf32> to vector<16xf32>
    %get3A_1130 = arith.constant 2 : i32
    %get3A_1131 = arith.index_cast %get3A_1130 : i32 to index
    %get3A_1132 = arith.constant 48 : index
    %get3A_1133 = tpu.vector_load %arg4[%get3A_1131, %get3A_1132] {strides = array<i32>} : memref<8x64xf32, #tpu.memory_space<vmem>>, vector<1x16xf32>,
    %get3A_1134 = vector.shape_cast %get3A_1133 : vector<1x16xf32> to vector<16xf32>
    %get3A_1135 = arith.constant 3 : i32
    %get3A_1136 = arith.index_cast %get3A_1135 : i32 to index
    %get3A_1137 = arith.constant 48 : index
    %get3A_1138 = tpu.vector_load %arg4[%get3A_1136, %get3A_1137] {strides = array<i32>} : memref<8x64xf32, #tpu.memory_space<vmem>>, vector<1x16xf32>,
    %get3A_1139 = vector.shape_cast %get3A_1138 : vector<1x16xf32> to vector<16xf32>
    %get3A_1140 = arith.constant 4 : i32
    %get3A_1141 = arith.index_cast %get3A_1140 : i32 to index
    %get3A_1142 = arith.constant 48 : index
    %get3A_1143 = tpu.vector_load %arg4[%get3A_1141, %get3A_1142] {strides = array<i32>} : memref<8x64xf32, #tpu.memory_space<vmem>>, vector<1x16xf32>,
    %get3A_1144 = vector.shape_cast %get3A_1143 : vector<1x16xf32> to vector<16xf32>
    %get3A_1145 = arith.constant 5 : i32
    %get3A_1146 = arith.index_cast %get3A_1145 : i32 to index
    %get3A_1147 = arith.constant 48 : index
    %get3A_1148 = tpu.vector_load %arg4[%get3A_1146, %get3A_1147] {strides = array<i32>} : memref<8x64xf32, #tpu.memory_space<vmem>>, vector<1x16xf32>,
    %get3A_1149 = vector.shape_cast %get3A_1148 : vector<1x16xf32> to vector<16xf32>
    %get3A_1150 = arith.constant 6 : i32
    %get3A_1151 = arith.index_cast %get3A_1150 : i32 to index
    %get3A_1152 = arith.constant 48 : index
    %get3A_1153 = tpu.vector_load %arg4[%get3A_1151, %get3A_1152] {strides = array<i32>} : memref<8x64xf32, #tpu.memory_space<vmem>>, vector<1x16xf32>,
    %get3A_1154 = vector.shape_cast %get3A_1153 : vector<1x16xf32> to vector<16xf32>
    %get3A_1155 = arith.constant 7 : i32
    %get3A_1156 = arith.index_cast %get3A_1155 : i32 to index
    %get3A_1157 = arith.constant 48 : index
    %get3A_1158 = tpu.vector_load %arg4[%get3A_1156, %get3A_1157] {strides = array<i32>} : memref<8x64xf32, #tpu.memory_space<vmem>>, vector<1x16xf32>,
    %get3A_1159 = vector.shape_cast %get3A_1158 : vector<1x16xf32> to vector<16xf32>
    %max3A_1160 = arith.maximumf %get3A_1124, %get3A_1129 : vector<16xf32>
    %max3A_1161 = arith.maximumf %max3A_1160, %get3A_1134 : vector<16xf32>
    %max3A_1162 = arith.maximumf %max3A_1161, %get3A_1139 : vector<16xf32>
    %max3A_1163 = arith.maximumf %max3A_1162, %get3A_1144 : vector<16xf32>
    %max3A_1164 = arith.maximumf %max3A_1163, %get3A_1149 : vector<16xf32>
    %max3A_1165 = arith.maximumf %max3A_1164, %get3A_1154 : vector<16xf32>
    %max3A_1166 = arith.maximumf %max3A_1165, %get3A_1159 : vector<16xf32>
    %broadcast_in_dim3A_1167 = arith.constant 8 : i32
    %broadcast_in_dim3A_1168 = vector.broadcast %broadcast_in_dim3A_1167 : i32 to vector<16xi32>
    %eq3A_1169 = arith.cmpf oeq, %get3A_1159, %max3A_1166 : vector<16xf32>
    %jit3A_1170 = arith.constant 7 : i32
    %broadcast_in_dim3A_1171 = vector.broadcast %jit3A_1170 : i32 to vector<16xi32>
    %select_n3A_1172 = arith.select %eq3A_1169, %broadcast_in_dim3A_1171, %broadcast_in_dim3A_1168 : vector<16xi1>, vector<16xi32>
    %eq3A_1173 = arith.cmpf oeq, %get3A_1154, %max3A_1166 : vector<16xf32>
    %jit3A_1174 = arith.constant 6 : i32
    %broadcast_in_dim3A_1175 = vector.broadcast %jit3A_1174 : i32 to vector<16xi32>
    %select_n3A_1176 = arith.select %eq3A_1173, %broadcast_in_dim3A_1175, %select_n3A_1172 : vector<16xi1>, vector<16xi32>
    %eq3A_1177 = arith.cmpf oeq, %get3A_1149, %max3A_1166 : vector<16xf32>
    %jit3A_1178 = arith.constant 5 : i32
    %broadcast_in_dim3A_1179 = vector.broadcast %jit3A_1178 : i32 to vector<16xi32>
    %select_n3A_1180 = arith.select %eq3A_1177, %broadcast_in_dim3A_1179, %select_n3A_1176 : vector<16xi1>, vector<16xi32>
    %eq3A_1181 = arith.cmpf oeq, %get3A_1144, %max3A_1166 : vector<16xf32>
    %jit3A_1182 = arith.constant 4 : i32
    %broadcast_in_dim3A_1183 = vector.broadcast %jit3A_1182 : i32 to vector<16xi32>
    %select_n3A_1184 = arith.select %eq3A_1181, %broadcast_in_dim3A_1183, %select_n3A_1180 : vector<16xi1>, vector<16xi32>
    %eq3A_1185 = arith.cmpf oeq, %get3A_1139, %max3A_1166 : vector<16xf32>
    %jit3A_1186 = arith.constant 3 : i32
    %broadcast_in_dim3A_1187 = vector.broadcast %jit3A_1186 : i32 to vector<16xi32>
    %select_n3A_1188 = arith.select %eq3A_1185, %broadcast_in_dim3A_1187, %select_n3A_1184 : vector<16xi1>, vector<16xi32>
    %eq3A_1189 = arith.cmpf oeq, %get3A_1134, %max3A_1166 : vector<16xf32>
    %jit3A_1190 = arith.constant 2 : i32
    %broadcast_in_dim3A_1191 = vector.broadcast %jit3A_1190 : i32 to vector<16xi32>
    %select_n3A_1192 = arith.select %eq3A_1189, %broadcast_in_dim3A_1191, %select_n3A_1188 : vector<16xi1>, vector<16xi32>
    %eq3A_1193 = arith.cmpf oeq, %get3A_1129, %max3A_1166 : vector<16xf32>
    %jit3A_1194 = arith.constant 1 : i32
    %broadcast_in_dim3A_1195 = vector.broadcast %jit3A_1194 : i32 to vector<16xi32>
    %select_n3A_1196 = arith.select %eq3A_1193, %broadcast_in_dim3A_1195, %select_n3A_1192 : vector<16xi1>, vector<16xi32>
    %eq3A_1197 = arith.cmpf oeq, %get3A_1124, %max3A_1166 : vector<16xf32>
    %jit3A_1198 = arith.constant 0 : i32
    %broadcast_in_dim3A_1199 = vector.broadcast %jit3A_1198 : i32 to vector<16xi32>
    %select_n3A_1200 = arith.select %eq3A_1197, %broadcast_in_dim3A_1199, %select_n3A_1196 : vector<16xi1>, vector<16xi32>
    %eq3A_1201 = arith.constant 0 : i32
    %eq3A_1202 = vector.broadcast %eq3A_1201 : i32 to vector<16xi32>
    %eq3A_1203 = arith.cmpi eq, %select_n3A_1200, %eq3A_1202 : vector<16xi32>
    %jit3A_1204 = arith.constant -1.000000e+00 : f32
    %broadcast_in_dim3A_1205 = vector.broadcast %jit3A_1204 : f32 to vector<16xf32>
    %select_n3A_1206 = arith.select %eq3A_1203, %broadcast_in_dim3A_1205, %get3A_1124 : vector<16xi1>, vector<16xf32>
    %eq3A_1207 = arith.constant 1 : i32
    %eq3A_1208 = vector.broadcast %eq3A_1207 : i32 to vector<16xi32>
    %eq3A_1209 = arith.cmpi eq, %select_n3A_1200, %eq3A_1208 : vector<16xi32>
    %jit3A_1210 = arith.constant -1.000000e+00 : f32
    %broadcast_in_dim3A_1211 = vector.broadcast %jit3A_1210 : f32 to vector<16xf32>
    %select_n3A_1212 = arith.select %eq3A_1209, %broadcast_in_dim3A_1211, %get3A_1129 : vector<16xi1>, vector<16xf32>
    %eq3A_1213 = arith.constant 2 : i32
    %eq3A_1214 = vector.broadcast %eq3A_1213 : i32 to vector<16xi32>
    %eq3A_1215 = arith.cmpi eq, %select_n3A_1200, %eq3A_1214 : vector<16xi32>
    %jit3A_1216 = arith.constant -1.000000e+00 : f32
    %broadcast_in_dim3A_1217 = vector.broadcast %jit3A_1216 : f32 to vector<16xf32>
    %select_n3A_1218 = arith.select %eq3A_1215, %broadcast_in_dim3A_1217, %get3A_1134 : vector<16xi1>, vector<16xf32>
    %eq3A_1219 = arith.constant 3 : i32
    %eq3A_1220 = vector.broadcast %eq3A_1219 : i32 to vector<16xi32>
    %eq3A_1221 = arith.cmpi eq, %select_n3A_1200, %eq3A_1220 : vector<16xi32>
    %jit3A_1222 = arith.constant -1.000000e+00 : f32
    %broadcast_in_dim3A_1223 = vector.broadcast %jit3A_1222 : f32 to vector<16xf32>
    %select_n3A_1224 = arith.select %eq3A_1221, %broadcast_in_dim3A_1223, %get3A_1139 : vector<16xi1>, vector<16xf32>
    %eq3A_1225 = arith.constant 4 : i32
    %eq3A_1226 = vector.broadcast %eq3A_1225 : i32 to vector<16xi32>
    %eq3A_1227 = arith.cmpi eq, %select_n3A_1200, %eq3A_1226 : vector<16xi32>
    %jit3A_1228 = arith.constant -1.000000e+00 : f32
    %broadcast_in_dim3A_1229 = vector.broadcast %jit3A_1228 : f32 to vector<16xf32>
    %select_n3A_1230 = arith.select %eq3A_1227, %broadcast_in_dim3A_1229, %get3A_1144 : vector<16xi1>, vector<16xf32>
    %eq3A_1231 = arith.constant 5 : i32
    %eq3A_1232 = vector.broadcast %eq3A_1231 : i32 to vector<16xi32>
    %eq3A_1233 = arith.cmpi eq, %select_n3A_1200, %eq3A_1232 : vector<16xi32>
    %jit3A_1234 = arith.constant -1.000000e+00 : f32
    %broadcast_in_dim3A_1235 = vector.broadcast %jit3A_1234 : f32 to vector<16xf32>
    %select_n3A_1236 = arith.select %eq3A_1233, %broadcast_in_dim3A_1235, %get3A_1149 : vector<16xi1>, vector<16xf32>
    %eq3A_1237 = arith.constant 6 : i32
    %eq3A_1238 = vector.broadcast %eq3A_1237 : i32 to vector<16xi32>
    %eq3A_1239 = arith.cmpi eq, %select_n3A_1200, %eq3A_1238 : vector<16xi32>
    %jit3A_1240 = arith.constant -1.000000e+00 : f32
    %broadcast_in_dim3A_1241 = vector.broadcast %jit3A_1240 : f32 to vector<16xf32>
    %select_n3A_1242 = arith.select %eq3A_1239, %broadcast_in_dim3A_1241, %get3A_1154 : vector<16xi1>, vector<16xf32>
    %eq3A_1243 = arith.constant 7 : i32
    %eq3A_1244 = vector.broadcast %eq3A_1243 : i32 to vector<16xi32>
    %eq3A_1245 = arith.cmpi eq, %select_n3A_1200, %eq3A_1244 : vector<16xi32>
    %jit3A_1246 = arith.constant -1.000000e+00 : f32
    %broadcast_in_dim3A_1247 = vector.broadcast %jit3A_1246 : f32 to vector<16xf32>
    %select_n3A_1248 = arith.select %eq3A_1245, %broadcast_in_dim3A_1247, %get3A_1159 : vector<16xi1>, vector<16xf32>
    %max3A_1249 = arith.maximumf %select_n3A_1206, %select_n3A_1212 : vector<16xf32>
    %max3A_1250 = arith.maximumf %max3A_1249, %select_n3A_1218 : vector<16xf32>
    %max3A_1251 = arith.maximumf %max3A_1250, %select_n3A_1224 : vector<16xf32>
    %max3A_1252 = arith.maximumf %max3A_1251, %select_n3A_1230 : vector<16xf32>
    %max3A_1253 = arith.maximumf %max3A_1252, %select_n3A_1236 : vector<16xf32>
    %max3A_1254 = arith.maximumf %max3A_1253, %select_n3A_1242 : vector<16xf32>
    %max3A_1255 = arith.maximumf %max3A_1254, %select_n3A_1248 : vector<16xf32>
    %broadcast_in_dim3A_1256 = arith.constant 8 : i32
    %broadcast_in_dim3A_1257 = vector.broadcast %broadcast_in_dim3A_1256 : i32 to vector<16xi32>
    %eq3A_1258 = arith.cmpf oeq, %select_n3A_1248, %max3A_1255 : vector<16xf32>
    %jit3A_1259 = arith.constant 7 : i32
    %broadcast_in_dim3A_1260 = vector.broadcast %jit3A_1259 : i32 to vector<16xi32>
    %select_n3A_1261 = arith.select %eq3A_1258, %broadcast_in_dim3A_1260, %broadcast_in_dim3A_1257 : vector<16xi1>, vector<16xi32>
    %eq3A_1262 = arith.cmpf oeq, %select_n3A_1242, %max3A_1255 : vector<16xf32>
    %jit3A_1263 = arith.constant 6 : i32
    %broadcast_in_dim3A_1264 = vector.broadcast %jit3A_1263 : i32 to vector<16xi32>
    %select_n3A_1265 = arith.select %eq3A_1262, %broadcast_in_dim3A_1264, %select_n3A_1261 : vector<16xi1>, vector<16xi32>
    %eq3A_1266 = arith.cmpf oeq, %select_n3A_1236, %max3A_1255 : vector<16xf32>
    %jit3A_1267 = arith.constant 5 : i32
    %broadcast_in_dim3A_1268 = vector.broadcast %jit3A_1267 : i32 to vector<16xi32>
    %select_n3A_1269 = arith.select %eq3A_1266, %broadcast_in_dim3A_1268, %select_n3A_1265 : vector<16xi1>, vector<16xi32>
    %eq3A_1270 = arith.cmpf oeq, %select_n3A_1230, %max3A_1255 : vector<16xf32>
    %jit3A_1271 = arith.constant 4 : i32
    %broadcast_in_dim3A_1272 = vector.broadcast %jit3A_1271 : i32 to vector<16xi32>
    %select_n3A_1273 = arith.select %eq3A_1270, %broadcast_in_dim3A_1272, %select_n3A_1269 : vector<16xi1>, vector<16xi32>
    %eq3A_1274 = arith.cmpf oeq, %select_n3A_1224, %max3A_1255 : vector<16xf32>
    %jit3A_1275 = arith.constant 3 : i32
    %broadcast_in_dim3A_1276 = vector.broadcast %jit3A_1275 : i32 to vector<16xi32>
    %select_n3A_1277 = arith.select %eq3A_1274, %broadcast_in_dim3A_1276, %select_n3A_1273 : vector<16xi1>, vector<16xi32>
    %eq3A_1278 = arith.cmpf oeq, %select_n3A_1218, %max3A_1255 : vector<16xf32>
    %jit3A_1279 = arith.constant 2 : i32
    %broadcast_in_dim3A_1280 = vector.broadcast %jit3A_1279 : i32 to vector<16xi32>
    %select_n3A_1281 = arith.select %eq3A_1278, %broadcast_in_dim3A_1280, %select_n3A_1277 : vector<16xi1>, vector<16xi32>
    %eq3A_1282 = arith.cmpf oeq, %select_n3A_1212, %max3A_1255 : vector<16xf32>
    %jit3A_1283 = arith.constant 1 : i32
    %broadcast_in_dim3A_1284 = vector.broadcast %jit3A_1283 : i32 to vector<16xi32>
    %select_n3A_1285 = arith.select %eq3A_1282, %broadcast_in_dim3A_1284, %select_n3A_1281 : vector<16xi1>, vector<16xi32>
    %eq3A_1286 = arith.cmpf oeq, %select_n3A_1206, %max3A_1255 : vector<16xf32>
    %jit3A_1287 = arith.constant 0 : i32
    %broadcast_in_dim3A_1288 = vector.broadcast %jit3A_1287 : i32 to vector<16xi32>
    %select_n3A_1289 = arith.select %eq3A_1286, %broadcast_in_dim3A_1288, %select_n3A_1285 : vector<16xi1>, vector<16xi32>
    %eq3A_1290 = arith.constant 0 : i32
    %eq3A_1291 = vector.broadcast %eq3A_1290 : i32 to vector<16xi32>
    %eq3A_1292 = arith.cmpi eq, %select_n3A_1200, %eq3A_1291 : vector<16xi32>
    %jit3A_1293 = arith.constant 0.000000e+00 : f32
    %broadcast_in_dim3A_1294 = vector.broadcast %jit3A_1293 : f32 to vector<16xf32>
    %select_n3A_1295 = arith.select %eq3A_1292, %max3A_1166, %broadcast_in_dim3A_1294 : vector<16xi1>, vector<16xf32>
    %eq3A_1296 = arith.constant 0 : i32
    %eq3A_1297 = vector.broadcast %eq3A_1296 : i32 to vector<16xi32>
    %eq3A_1298 = arith.cmpi eq, %select_n3A_1289, %eq3A_1297 : vector<16xi32>
    %jit3A_1299 = arith.constant 0.000000e+00 : f32
    %broadcast_in_dim3A_1300 = vector.broadcast %jit3A_1299 : f32 to vector<16xf32>
    %select_n3A_1301 = arith.select %eq3A_1298, %max3A_1255, %broadcast_in_dim3A_1300 : vector<16xi1>, vector<16xf32>
    %add3A_1302 = arith.addf %select_n3A_1295, %select_n3A_1301 : vector<16xf32>
    %swap3A_1303 = arith.constant 0 : i32
    %swap3A_1304 = arith.index_cast %swap3A_1303 : i32 to index
    %swap3A_1305 = arith.constant 48 : index
    %swap3A_1306 = tpu.vector_load %arg5[%swap3A_1304, %swap3A_1305] {strides = array<i32>} : memref<8x64xf32, #tpu.memory_space<vmem>>, vector<1x16xf32>,
    %swap3A_1307 = vector.shape_cast %swap3A_1306 : vector<1x16xf32> to vector<16xf32>
    %swap3A_1308 = vector.shape_cast %add3A_1302 : vector<16xf32> to vector<1x16xf32>
    tpu.vector_store %arg5[%swap3A_1304, %swap3A_1305], %swap3A_1308 {strides = array<i32>} : memref<8x64xf32, #tpu.memory_space<vmem>>, vector<1x16xf32>,
    %eq3A_1309 = arith.constant 1 : i32
    %eq3A_1310 = vector.broadcast %eq3A_1309 : i32 to vector<16xi32>
    %eq3A_1311 = arith.cmpi eq, %select_n3A_1200, %eq3A_1310 : vector<16xi32>
    %jit3A_1312 = arith.constant 0.000000e+00 : f32
    %broadcast_in_dim3A_1313 = vector.broadcast %jit3A_1312 : f32 to vector<16xf32>
    %select_n3A_1314 = arith.select %eq3A_1311, %max3A_1166, %broadcast_in_dim3A_1313 : vector<16xi1>, vector<16xf32>
    %eq3A_1315 = arith.constant 1 : i32
    %eq3A_1316 = vector.broadcast %eq3A_1315 : i32 to vector<16xi32>
    %eq3A_1317 = arith.cmpi eq, %select_n3A_1289, %eq3A_1316 : vector<16xi32>
    %jit3A_1318 = arith.constant 0.000000e+00 : f32
    %broadcast_in_dim3A_1319 = vector.broadcast %jit3A_1318 : f32 to vector<16xf32>
    %select_n3A_1320 = arith.select %eq3A_1317, %max3A_1255, %broadcast_in_dim3A_1319 : vector<16xi1>, vector<16xf32>
    %add3A_1321 = arith.addf %select_n3A_1314, %select_n3A_1320 : vector<16xf32>
    %swap3A_1322 = arith.constant 1 : i32
    %swap3A_1323 = arith.index_cast %swap3A_1322 : i32 to index
    %swap3A_1324 = arith.constant 48 : index
    %swap3A_1325 = tpu.vector_load %arg5[%swap3A_1323, %swap3A_1324] {strides = array<i32>} : memref<8x64xf32, #tpu.memory_space<vmem>>, vector<1x16xf32>,
    %swap3A_1326 = vector.shape_cast %swap3A_1325 : vector<1x16xf32> to vector<16xf32>
    %swap3A_1327 = vector.shape_cast %add3A_1321 : vector<16xf32> to vector<1x16xf32>
    tpu.vector_store %arg5[%swap3A_1323, %swap3A_1324], %swap3A_1327 {strides = array<i32>} : memref<8x64xf32, #tpu.memory_space<vmem>>, vector<1x16xf32>,
    %eq3A_1328 = arith.constant 2 : i32
    %eq3A_1329 = vector.broadcast %eq3A_1328 : i32 to vector<16xi32>
    %eq3A_1330 = arith.cmpi eq, %select_n3A_1200, %eq3A_1329 : vector<16xi32>
    %jit3A_1331 = arith.constant 0.000000e+00 : f32
    %broadcast_in_dim3A_1332 = vector.broadcast %jit3A_1331 : f32 to vector<16xf32>
    %select_n3A_1333 = arith.select %eq3A_1330, %max3A_1166, %broadcast_in_dim3A_1332 : vector<16xi1>, vector<16xf32>
    %eq3A_1334 = arith.constant 2 : i32
    %eq3A_1335 = vector.broadcast %eq3A_1334 : i32 to vector<16xi32>
    %eq3A_1336 = arith.cmpi eq, %select_n3A_1289, %eq3A_1335 : vector<16xi32>
    %jit3A_1337 = arith.constant 0.000000e+00 : f32
    %broadcast_in_dim3A_1338 = vector.broadcast %jit3A_1337 : f32 to vector<16xf32>
    %select_n3A_1339 = arith.select %eq3A_1336, %max3A_1255, %broadcast_in_dim3A_1338 : vector<16xi1>, vector<16xf32>
    %add3A_1340 = arith.addf %select_n3A_1333, %select_n3A_1339 : vector<16xf32>
    %swap3A_1341 = arith.constant 2 : i32
    %swap3A_1342 = arith.index_cast %swap3A_1341 : i32 to index
    %swap3A_1343 = arith.constant 48 : index
    %swap3A_1344 = tpu.vector_load %arg5[%swap3A_1342, %swap3A_1343] {strides = array<i32>} : memref<8x64xf32, #tpu.memory_space<vmem>>, vector<1x16xf32>,
    %swap3A_1345 = vector.shape_cast %swap3A_1344 : vector<1x16xf32> to vector<16xf32>
    %swap3A_1346 = vector.shape_cast %add3A_1340 : vector<16xf32> to vector<1x16xf32>
    tpu.vector_store %arg5[%swap3A_1342, %swap3A_1343], %swap3A_1346 {strides = array<i32>} : memref<8x64xf32, #tpu.memory_space<vmem>>, vector<1x16xf32>,
    %eq3A_1347 = arith.constant 3 : i32
    %eq3A_1348 = vector.broadcast %eq3A_1347 : i32 to vector<16xi32>
    %eq3A_1349 = arith.cmpi eq, %select_n3A_1200, %eq3A_1348 : vector<16xi32>
    %jit3A_1350 = arith.constant 0.000000e+00 : f32
    %broadcast_in_dim3A_1351 = vector.broadcast %jit3A_1350 : f32 to vector<16xf32>
    %select_n3A_1352 = arith.select %eq3A_1349, %max3A_1166, %broadcast_in_dim3A_1351 : vector<16xi1>, vector<16xf32>
    %eq3A_1353 = arith.constant 3 : i32
    %eq3A_1354 = vector.broadcast %eq3A_1353 : i32 to vector<16xi32>
    %eq3A_1355 = arith.cmpi eq, %select_n3A_1289, %eq3A_1354 : vector<16xi32>
    %jit3A_1356 = arith.constant 0.000000e+00 : f32
    %broadcast_in_dim3A_1357 = vector.broadcast %jit3A_1356 : f32 to vector<16xf32>
    %select_n3A_1358 = arith.select %eq3A_1355, %max3A_1255, %broadcast_in_dim3A_1357 : vector<16xi1>, vector<16xf32>
    %add3A_1359 = arith.addf %select_n3A_1352, %select_n3A_1358 : vector<16xf32>
    %swap3A_1360 = arith.constant 3 : i32
    %swap3A_1361 = arith.index_cast %swap3A_1360 : i32 to index
    %swap3A_1362 = arith.constant 48 : index
    %swap3A_1363 = tpu.vector_load %arg5[%swap3A_1361, %swap3A_1362] {strides = array<i32>} : memref<8x64xf32, #tpu.memory_space<vmem>>, vector<1x16xf32>,
    %swap3A_1364 = vector.shape_cast %swap3A_1363 : vector<1x16xf32> to vector<16xf32>
    %swap3A_1365 = vector.shape_cast %add3A_1359 : vector<16xf32> to vector<1x16xf32>
    tpu.vector_store %arg5[%swap3A_1361, %swap3A_1362], %swap3A_1365 {strides = array<i32>} : memref<8x64xf32, #tpu.memory_space<vmem>>, vector<1x16xf32>,
    %eq3A_1366 = arith.constant 4 : i32
    %eq3A_1367 = vector.broadcast %eq3A_1366 : i32 to vector<16xi32>
    %eq3A_1368 = arith.cmpi eq, %select_n3A_1200, %eq3A_1367 : vector<16xi32>
    %jit3A_1369 = arith.constant 0.000000e+00 : f32
    %broadcast_in_dim3A_1370 = vector.broadcast %jit3A_1369 : f32 to vector<16xf32>
    %select_n3A_1371 = arith.select %eq3A_1368, %max3A_1166, %broadcast_in_dim3A_1370 : vector<16xi1>, vector<16xf32>
    %eq3A_1372 = arith.constant 4 : i32
    %eq3A_1373 = vector.broadcast %eq3A_1372 : i32 to vector<16xi32>
    %eq3A_1374 = arith.cmpi eq, %select_n3A_1289, %eq3A_1373 : vector<16xi32>
    %jit3A_1375 = arith.constant 0.000000e+00 : f32
    %broadcast_in_dim3A_1376 = vector.broadcast %jit3A_1375 : f32 to vector<16xf32>
    %select_n3A_1377 = arith.select %eq3A_1374, %max3A_1255, %broadcast_in_dim3A_1376 : vector<16xi1>, vector<16xf32>
    %add3A_1378 = arith.addf %select_n3A_1371, %select_n3A_1377 : vector<16xf32>
    %swap3A_1379 = arith.constant 4 : i32
    %swap3A_1380 = arith.index_cast %swap3A_1379 : i32 to index
    %swap3A_1381 = arith.constant 48 : index
    %swap3A_1382 = tpu.vector_load %arg5[%swap3A_1380, %swap3A_1381] {strides = array<i32>} : memref<8x64xf32, #tpu.memory_space<vmem>>, vector<1x16xf32>,
    %swap3A_1383 = vector.shape_cast %swap3A_1382 : vector<1x16xf32> to vector<16xf32>
    %swap3A_1384 = vector.shape_cast %add3A_1378 : vector<16xf32> to vector<1x16xf32>
    tpu.vector_store %arg5[%swap3A_1380, %swap3A_1381], %swap3A_1384 {strides = array<i32>} : memref<8x64xf32, #tpu.memory_space<vmem>>, vector<1x16xf32>,
    %eq3A_1385 = arith.constant 5 : i32
    %eq3A_1386 = vector.broadcast %eq3A_1385 : i32 to vector<16xi32>
    %eq3A_1387 = arith.cmpi eq, %select_n3A_1200, %eq3A_1386 : vector<16xi32>
    %jit3A_1388 = arith.constant 0.000000e+00 : f32
    %broadcast_in_dim3A_1389 = vector.broadcast %jit3A_1388 : f32 to vector<16xf32>
    %select_n3A_1390 = arith.select %eq3A_1387, %max3A_1166, %broadcast_in_dim3A_1389 : vector<16xi1>, vector<16xf32>
    %eq3A_1391 = arith.constant 5 : i32
    %eq3A_1392 = vector.broadcast %eq3A_1391 : i32 to vector<16xi32>
    %eq3A_1393 = arith.cmpi eq, %select_n3A_1289, %eq3A_1392 : vector<16xi32>
    %jit3A_1394 = arith.constant 0.000000e+00 : f32
    %broadcast_in_dim3A_1395 = vector.broadcast %jit3A_1394 : f32 to vector<16xf32>
    %select_n3A_1396 = arith.select %eq3A_1393, %max3A_1255, %broadcast_in_dim3A_1395 : vector<16xi1>, vector<16xf32>
    %add3A_1397 = arith.addf %select_n3A_1390, %select_n3A_1396 : vector<16xf32>
    %swap3A_1398 = arith.constant 5 : i32
    %swap3A_1399 = arith.index_cast %swap3A_1398 : i32 to index
    %swap3A_1400 = arith.constant 48 : index
    %swap3A_1401 = tpu.vector_load %arg5[%swap3A_1399, %swap3A_1400] {strides = array<i32>} : memref<8x64xf32, #tpu.memory_space<vmem>>, vector<1x16xf32>,
    %swap3A_1402 = vector.shape_cast %swap3A_1401 : vector<1x16xf32> to vector<16xf32>
    %swap3A_1403 = vector.shape_cast %add3A_1397 : vector<16xf32> to vector<1x16xf32>
    tpu.vector_store %arg5[%swap3A_1399, %swap3A_1400], %swap3A_1403 {strides = array<i32>} : memref<8x64xf32, #tpu.memory_space<vmem>>, vector<1x16xf32>,
    %eq3A_1404 = arith.constant 6 : i32
    %eq3A_1405 = vector.broadcast %eq3A_1404 : i32 to vector<16xi32>
    %eq3A_1406 = arith.cmpi eq, %select_n3A_1200, %eq3A_1405 : vector<16xi32>
    %jit3A_1407 = arith.constant 0.000000e+00 : f32
    %broadcast_in_dim3A_1408 = vector.broadcast %jit3A_1407 : f32 to vector<16xf32>
    %select_n3A_1409 = arith.select %eq3A_1406, %max3A_1166, %broadcast_in_dim3A_1408 : vector<16xi1>, vector<16xf32>
    %eq3A_1410 = arith.constant 6 : i32
    %eq3A_1411 = vector.broadcast %eq3A_1410 : i32 to vector<16xi32>
    %eq3A_1412 = arith.cmpi eq, %select_n3A_1289, %eq3A_1411 : vector<16xi32>
    %jit3A_1413 = arith.constant 0.000000e+00 : f32
    %broadcast_in_dim3A_1414 = vector.broadcast %jit3A_1413 : f32 to vector<16xf32>
    %select_n3A_1415 = arith.select %eq3A_1412, %max3A_1255, %broadcast_in_dim3A_1414 : vector<16xi1>, vector<16xf32>
    %add3A_1416 = arith.addf %select_n3A_1409, %select_n3A_1415 : vector<16xf32>
    %swap3A_1417 = arith.constant 6 : i32
    %swap3A_1418 = arith.index_cast %swap3A_1417 : i32 to index
    %swap3A_1419 = arith.constant 48 : index
    %swap3A_1420 = tpu.vector_load %arg5[%swap3A_1418, %swap3A_1419] {strides = array<i32>} : memref<8x64xf32, #tpu.memory_space<vmem>>, vector<1x16xf32>,
    %swap3A_1421 = vector.shape_cast %swap3A_1420 : vector<1x16xf32> to vector<16xf32>
    %swap3A_1422 = vector.shape_cast %add3A_1416 : vector<16xf32> to vector<1x16xf32>
    tpu.vector_store %arg5[%swap3A_1418, %swap3A_1419], %swap3A_1422 {strides = array<i32>} : memref<8x64xf32, #tpu.memory_space<vmem>>, vector<1x16xf32>,
    %eq3A_1423 = arith.constant 7 : i32
    %eq3A_1424 = vector.broadcast %eq3A_1423 : i32 to vector<16xi32>
    %eq3A_1425 = arith.cmpi eq, %select_n3A_1200, %eq3A_1424 : vector<16xi32>
    %jit3A_1426 = arith.constant 0.000000e+00 : f32
    %broadcast_in_dim3A_1427 = vector.broadcast %jit3A_1426 : f32 to vector<16xf32>
    %select_n3A_1428 = arith.select %eq3A_1425, %max3A_1166, %broadcast_in_dim3A_1427 : vector<16xi1>, vector<16xf32>
    %eq3A_1429 = arith.constant 7 : i32
    %eq3A_1430 = vector.broadcast %eq3A_1429 : i32 to vector<16xi32>
    %eq3A_1431 = arith.cmpi eq, %select_n3A_1289, %eq3A_1430 : vector<16xi32>
    %jit3A_1432 = arith.constant 0.000000e+00 : f32
    %broadcast_in_dim3A_1433 = vector.broadcast %jit3A_1432 : f32 to vector<16xf32>
    %select_n3A_1434 = arith.select %eq3A_1431, %max3A_1255, %broadcast_in_dim3A_1433 : vector<16xi1>, vector<16xf32>
    %add3A_1435 = arith.addf %select_n3A_1428, %select_n3A_1434 : vector<16xf32>
    %swap3A_1436 = arith.constant 7 : i32
    %swap3A_1437 = arith.index_cast %swap3A_1436 : i32 to index
    %swap3A_1438 = arith.constant 48 : index
    %swap3A_1439 = tpu.vector_load %arg5[%swap3A_1437, %swap3A_1438] {strides = array<i32>} : memref<8x64xf32, #tpu.memory_space<vmem>>, vector<1x16xf32>,
    %swap3A_1440 = vector.shape_cast %swap3A_1439 : vector<1x16xf32> to vector<16xf32>
    %swap3A_1441 = vector.shape_cast %add3A_1435 : vector<16xf32> to vector<1x16xf32>
    tpu.vector_store %arg5[%swap3A_1437, %swap3A_1438], %swap3A_1441 {strides = array<i32>} : memref<8x64xf32, #tpu.memory_space<vmem>>, vector<1x16xf32>,
    %add3A_1442 = arith.constant 0 : i32
    %add3A_1443 = arith.addi %add3A_1442, %mul3A_2 : i32
    %dma_start3A_1444 = arith.constant 0 : i32
    %dma_start3A_1445 = arith.constant 0 : i32
    %dma_start3A_1446 = tpu.memref_slice %arg5[%dma_start3A_1444, %dma_start3A_1445] : memref<8x64xf32, #tpu.memory_space<vmem>> -> memref<1x64xf32, #tpu.memory_space<vmem>>
    %dma_start3A_1447 = tpu.memref_squeeze %dma_start3A_1446 : memref<1x64xf32, #tpu.memory_space<vmem>> -> memref<64xf32, #tpu.memory_space<vmem>>
    %dma_start3A_1448 = tpu.memref_slice %arg3[%add3A_1443] : memref<8192xf32, #tpu.memory_space<hbm>> -> memref<64xf32, #tpu.memory_space<hbm>>
    %dma_start3A_1449 = tpu.memref_slice %arg3[%add3A_1443] : memref<8192xf32, #tpu.memory_space<hbm>> -> memref<64xf32, #tpu.memory_space<hbm>>
    %dma_start3A_1450 = arith.constant 0 : i32
    %dma_start3A_1451 = tpu.memref_slice %arg5[%dma_start3A_1444, %dma_start3A_1450] : memref<8x64xf32, #tpu.memory_space<vmem>> -> memref<1x64xf32, #tpu.memory_space<vmem>>
    %dma_start3A_1452 = tpu.memref_squeeze %dma_start3A_1451 : memref<1x64xf32, #tpu.memory_space<vmem>> -> memref<64xf32, #tpu.memory_space<vmem>>
    tpu.enqueue_dma source(%dma_start3A_1452 : memref<64xf32, #tpu.memory_space<vmem>>) target(%dma_start3A_1449 : memref<64xf32, #tpu.memory_space<hbm>>) target_semaphore(%arg7 : memref<!tpu.dma_semaphore, #tpu.memory_space<semaphore_mem>>)
    %add3A_1453 = arith.constant 1024 : i32
    %add3A_1454 = arith.addi %add3A_1453, %mul3A_2 : i32
    %dma_start3A_1455 = arith.constant 1 : i32
    %dma_start3A_1456 = arith.constant 0 : i32
    %dma_start3A_1457 = tpu.memref_slice %arg5[%dma_start3A_1455, %dma_start3A_1456] : memref<8x64xf32, #tpu.memory_space<vmem>> -> memref<1x64xf32, #tpu.memory_space<vmem>>
    %dma_start3A_1458 = tpu.memref_squeeze %dma_start3A_1457 : memref<1x64xf32, #tpu.memory_space<vmem>> -> memref<64xf32, #tpu.memory_space<vmem>>
    %dma_start3A_1459 = tpu.memref_slice %arg3[%add3A_1454] : memref<8192xf32, #tpu.memory_space<hbm>> -> memref<64xf32, #tpu.memory_space<hbm>>
    %dma_start3A_1460 = tpu.memref_slice %arg3[%add3A_1454] : memref<8192xf32, #tpu.memory_space<hbm>> -> memref<64xf32, #tpu.memory_space<hbm>>
    %dma_start3A_1461 = arith.constant 0 : i32
    %dma_start3A_1462 = tpu.memref_slice %arg5[%dma_start3A_1455, %dma_start3A_1461] : memref<8x64xf32, #tpu.memory_space<vmem>> -> memref<1x64xf32, #tpu.memory_space<vmem>>
    %dma_start3A_1463 = tpu.memref_squeeze %dma_start3A_1462 : memref<1x64xf32, #tpu.memory_space<vmem>> -> memref<64xf32, #tpu.memory_space<vmem>>
    tpu.enqueue_dma source(%dma_start3A_1463 : memref<64xf32, #tpu.memory_space<vmem>>) target(%dma_start3A_1460 : memref<64xf32, #tpu.memory_space<hbm>>) target_semaphore(%arg7 : memref<!tpu.dma_semaphore, #tpu.memory_space<semaphore_mem>>)
    %add3A_1464 = arith.constant 2048 : i32
    %add3A_1465 = arith.addi %add3A_1464, %mul3A_2 : i32
    %dma_start3A_1466 = arith.constant 2 : i32
    %dma_start3A_1467 = arith.constant 0 : i32
    %dma_start3A_1468 = tpu.memref_slice %arg5[%dma_start3A_1466, %dma_start3A_1467] : memref<8x64xf32, #tpu.memory_space<vmem>> -> memref<1x64xf32, #tpu.memory_space<vmem>>
    %dma_start3A_1469 = tpu.memref_squeeze %dma_start3A_1468 : memref<1x64xf32, #tpu.memory_space<vmem>> -> memref<64xf32, #tpu.memory_space<vmem>>
    %dma_start3A_1470 = tpu.memref_slice %arg3[%add3A_1465] : memref<8192xf32, #tpu.memory_space<hbm>> -> memref<64xf32, #tpu.memory_space<hbm>>
    %dma_start3A_1471 = tpu.memref_slice %arg3[%add3A_1465] : memref<8192xf32, #tpu.memory_space<hbm>> -> memref<64xf32, #tpu.memory_space<hbm>>
    %dma_start3A_1472 = arith.constant 0 : i32
    %dma_start3A_1473 = tpu.memref_slice %arg5[%dma_start3A_1466, %dma_start3A_1472] : memref<8x64xf32, #tpu.memory_space<vmem>> -> memref<1x64xf32, #tpu.memory_space<vmem>>
    %dma_start3A_1474 = tpu.memref_squeeze %dma_start3A_1473 : memref<1x64xf32, #tpu.memory_space<vmem>> -> memref<64xf32, #tpu.memory_space<vmem>>
    tpu.enqueue_dma source(%dma_start3A_1474 : memref<64xf32, #tpu.memory_space<vmem>>) target(%dma_start3A_1471 : memref<64xf32, #tpu.memory_space<hbm>>) target_semaphore(%arg7 : memref<!tpu.dma_semaphore, #tpu.memory_space<semaphore_mem>>)
    %add3A_1475 = arith.constant 3072 : i32
    %add3A_1476 = arith.addi %add3A_1475, %mul3A_2 : i32
    %dma_start3A_1477 = arith.constant 3 : i32
    %dma_start3A_1478 = arith.constant 0 : i32
    %dma_start3A_1479 = tpu.memref_slice %arg5[%dma_start3A_1477, %dma_start3A_1478] : memref<8x64xf32, #tpu.memory_space<vmem>> -> memref<1x64xf32, #tpu.memory_space<vmem>>
    %dma_start3A_1480 = tpu.memref_squeeze %dma_start3A_1479 : memref<1x64xf32, #tpu.memory_space<vmem>> -> memref<64xf32, #tpu.memory_space<vmem>>
    %dma_start3A_1481 = tpu.memref_slice %arg3[%add3A_1476] : memref<8192xf32, #tpu.memory_space<hbm>> -> memref<64xf32, #tpu.memory_space<hbm>>
    %dma_start3A_1482 = tpu.memref_slice %arg3[%add3A_1476] : memref<8192xf32, #tpu.memory_space<hbm>> -> memref<64xf32, #tpu.memory_space<hbm>>
    %dma_start3A_1483 = arith.constant 0 : i32
    %dma_start3A_1484 = tpu.memref_slice %arg5[%dma_start3A_1477, %dma_start3A_1483] : memref<8x64xf32, #tpu.memory_space<vmem>> -> memref<1x64xf32, #tpu.memory_space<vmem>>
    %dma_start3A_1485 = tpu.memref_squeeze %dma_start3A_1484 : memref<1x64xf32, #tpu.memory_space<vmem>> -> memref<64xf32, #tpu.memory_space<vmem>>
    tpu.enqueue_dma source(%dma_start3A_1485 : memref<64xf32, #tpu.memory_space<vmem>>) target(%dma_start3A_1482 : memref<64xf32, #tpu.memory_space<hbm>>) target_semaphore(%arg7 : memref<!tpu.dma_semaphore, #tpu.memory_space<semaphore_mem>>)
    %add3A_1486 = arith.constant 4096 : i32
    %add3A_1487 = arith.addi %add3A_1486, %mul3A_2 : i32
    %dma_start3A_1488 = arith.constant 4 : i32
    %dma_start3A_1489 = arith.constant 0 : i32
    %dma_start3A_1490 = tpu.memref_slice %arg5[%dma_start3A_1488, %dma_start3A_1489] : memref<8x64xf32, #tpu.memory_space<vmem>> -> memref<1x64xf32, #tpu.memory_space<vmem>>
    %dma_start3A_1491 = tpu.memref_squeeze %dma_start3A_1490 : memref<1x64xf32, #tpu.memory_space<vmem>> -> memref<64xf32, #tpu.memory_space<vmem>>
    %dma_start3A_1492 = tpu.memref_slice %arg3[%add3A_1487] : memref<8192xf32, #tpu.memory_space<hbm>> -> memref<64xf32, #tpu.memory_space<hbm>>
    %dma_start3A_1493 = tpu.memref_slice %arg3[%add3A_1487] : memref<8192xf32, #tpu.memory_space<hbm>> -> memref<64xf32, #tpu.memory_space<hbm>>
    %dma_start3A_1494 = arith.constant 0 : i32
    %dma_start3A_1495 = tpu.memref_slice %arg5[%dma_start3A_1488, %dma_start3A_1494] : memref<8x64xf32, #tpu.memory_space<vmem>> -> memref<1x64xf32, #tpu.memory_space<vmem>>
    %dma_start3A_1496 = tpu.memref_squeeze %dma_start3A_1495 : memref<1x64xf32, #tpu.memory_space<vmem>> -> memref<64xf32, #tpu.memory_space<vmem>>
    tpu.enqueue_dma source(%dma_start3A_1496 : memref<64xf32, #tpu.memory_space<vmem>>) target(%dma_start3A_1493 : memref<64xf32, #tpu.memory_space<hbm>>) target_semaphore(%arg7 : memref<!tpu.dma_semaphore, #tpu.memory_space<semaphore_mem>>)
    %add3A_1497 = arith.constant 5120 : i32
    %add3A_1498 = arith.addi %add3A_1497, %mul3A_2 : i32
    %dma_start3A_1499 = arith.constant 5 : i32
    %dma_start3A_1500 = arith.constant 0 : i32
    %dma_start3A_1501 = tpu.memref_slice %arg5[%dma_start3A_1499, %dma_start3A_1500] : memref<8x64xf32, #tpu.memory_space<vmem>> -> memref<1x64xf32, #tpu.memory_space<vmem>>
    %dma_start3A_1502 = tpu.memref_squeeze %dma_start3A_1501 : memref<1x64xf32, #tpu.memory_space<vmem>> -> memref<64xf32, #tpu.memory_space<vmem>>
    %dma_start3A_1503 = tpu.memref_slice %arg3[%add3A_1498] : memref<8192xf32, #tpu.memory_space<hbm>> -> memref<64xf32, #tpu.memory_space<hbm>>
    %dma_start3A_1504 = tpu.memref_slice %arg3[%add3A_1498] : memref<8192xf32, #tpu.memory_space<hbm>> -> memref<64xf32, #tpu.memory_space<hbm>>
    %dma_start3A_1505 = arith.constant 0 : i32
    %dma_start3A_1506 = tpu.memref_slice %arg5[%dma_start3A_1499, %dma_start3A_1505] : memref<8x64xf32, #tpu.memory_space<vmem>> -> memref<1x64xf32, #tpu.memory_space<vmem>>
    %dma_start3A_1507 = tpu.memref_squeeze %dma_start3A_1506 : memref<1x64xf32, #tpu.memory_space<vmem>> -> memref<64xf32, #tpu.memory_space<vmem>>
    tpu.enqueue_dma source(%dma_start3A_1507 : memref<64xf32, #tpu.memory_space<vmem>>) target(%dma_start3A_1504 : memref<64xf32, #tpu.memory_space<hbm>>) target_semaphore(%arg7 : memref<!tpu.dma_semaphore, #tpu.memory_space<semaphore_mem>>)
    %add3A_1508 = arith.constant 6144 : i32
    %add3A_1509 = arith.addi %add3A_1508, %mul3A_2 : i32
    %dma_start3A_1510 = arith.constant 6 : i32
    %dma_start3A_1511 = arith.constant 0 : i32
    %dma_start3A_1512 = tpu.memref_slice %arg5[%dma_start3A_1510, %dma_start3A_1511] : memref<8x64xf32, #tpu.memory_space<vmem>> -> memref<1x64xf32, #tpu.memory_space<vmem>>
    %dma_start3A_1513 = tpu.memref_squeeze %dma_start3A_1512 : memref<1x64xf32, #tpu.memory_space<vmem>> -> memref<64xf32, #tpu.memory_space<vmem>>
    %dma_start3A_1514 = tpu.memref_slice %arg3[%add3A_1509] : memref<8192xf32, #tpu.memory_space<hbm>> -> memref<64xf32, #tpu.memory_space<hbm>>
    %dma_start3A_1515 = tpu.memref_slice %arg3[%add3A_1509] : memref<8192xf32, #tpu.memory_space<hbm>> -> memref<64xf32, #tpu.memory_space<hbm>>
    %dma_start3A_1516 = arith.constant 0 : i32
    %dma_start3A_1517 = tpu.memref_slice %arg5[%dma_start3A_1510, %dma_start3A_1516] : memref<8x64xf32, #tpu.memory_space<vmem>> -> memref<1x64xf32, #tpu.memory_space<vmem>>
    %dma_start3A_1518 = tpu.memref_squeeze %dma_start3A_1517 : memref<1x64xf32, #tpu.memory_space<vmem>> -> memref<64xf32, #tpu.memory_space<vmem>>
    tpu.enqueue_dma source(%dma_start3A_1518 : memref<64xf32, #tpu.memory_space<vmem>>) target(%dma_start3A_1515 : memref<64xf32, #tpu.memory_space<hbm>>) target_semaphore(%arg7 : memref<!tpu.dma_semaphore, #tpu.memory_space<semaphore_mem>>)
    %add3A_1519 = arith.constant 7168 : i32
    %add3A_1520 = arith.addi %add3A_1519, %mul3A_2 : i32
    %dma_start3A_1521 = arith.constant 7 : i32
    %dma_start3A_1522 = arith.constant 0 : i32
    %dma_start3A_1523 = tpu.memref_slice %arg5[%dma_start3A_1521, %dma_start3A_1522] : memref<8x64xf32, #tpu.memory_space<vmem>> -> memref<1x64xf32, #tpu.memory_space<vmem>>
    %dma_start3A_1524 = tpu.memref_squeeze %dma_start3A_1523 : memref<1x64xf32, #tpu.memory_space<vmem>> -> memref<64xf32, #tpu.memory_space<vmem>>
    %dma_start3A_1525 = tpu.memref_slice %arg3[%add3A_1520] : memref<8192xf32, #tpu.memory_space<hbm>> -> memref<64xf32, #tpu.memory_space<hbm>>
    %dma_start3A_1526 = tpu.memref_slice %arg3[%add3A_1520] : memref<8192xf32, #tpu.memory_space<hbm>> -> memref<64xf32, #tpu.memory_space<hbm>>
    %dma_start3A_1527 = arith.constant 0 : i32
    %dma_start3A_1528 = tpu.memref_slice %arg5[%dma_start3A_1521, %dma_start3A_1527] : memref<8x64xf32, #tpu.memory_space<vmem>> -> memref<1x64xf32, #tpu.memory_space<vmem>>
    %dma_start3A_1529 = tpu.memref_squeeze %dma_start3A_1528 : memref<1x64xf32, #tpu.memory_space<vmem>> -> memref<64xf32, #tpu.memory_space<vmem>>
    tpu.enqueue_dma source(%dma_start3A_1529 : memref<64xf32, #tpu.memory_space<vmem>>) target(%dma_start3A_1526 : memref<64xf32, #tpu.memory_space<hbm>>) target_semaphore(%arg7 : memref<!tpu.dma_semaphore, #tpu.memory_space<semaphore_mem>>)
    %dma_wait3A_1530 = arith.constant 0 : i32
    %dma_wait3A_1531 = arith.constant 0 : i32
    %dma_wait3A_1532 = tpu.memref_slice %arg5[%dma_wait3A_1530, %dma_wait3A_1531] : memref<8x64xf32, #tpu.memory_space<vmem>> -> memref<1x64xf32, #tpu.memory_space<vmem>>
    %dma_wait3A_1533 = tpu.memref_squeeze %dma_wait3A_1532 : memref<1x64xf32, #tpu.memory_space<vmem>> -> memref<64xf32, #tpu.memory_space<vmem>>
    %dma_wait3A_1534 = tpu.memref_slice %arg3[%add3A_1443] : memref<8192xf32, #tpu.memory_space<hbm>> -> memref<64xf32, #tpu.memory_space<hbm>>
    %dma_wait3A_1535 = tpu.memref_slice %arg3[%add3A_1443] : memref<8192xf32, #tpu.memory_space<hbm>> -> memref<64xf32, #tpu.memory_space<hbm>>
    %dma_wait3A_1536 = arith.constant 0 : i32
    %dma_wait3A_1537 = tpu.memref_slice %arg5[%dma_wait3A_1530, %dma_wait3A_1536] : memref<8x64xf32, #tpu.memory_space<vmem>> -> memref<1x64xf32, #tpu.memory_space<vmem>>
    %dma_wait3A_1538 = tpu.memref_squeeze %dma_wait3A_1537 : memref<1x64xf32, #tpu.memory_space<vmem>> -> memref<64xf32, #tpu.memory_space<vmem>>
    tpu.wait_dma2 semaphore(%arg7 : memref<!tpu.dma_semaphore, #tpu.memory_space<semaphore_mem>>) src(%dma_wait3A_1538 : memref<64xf32, #tpu.memory_space<vmem>>) dst(%dma_wait3A_1535 : memref<64xf32, #tpu.memory_space<hbm>>)
    %dma_wait3A_1539 = arith.constant 1 : i32
    %dma_wait3A_1540 = arith.constant 0 : i32
    %dma_wait3A_1541 = tpu.memref_slice %arg5[%dma_wait3A_1539, %dma_wait3A_1540] : memref<8x64xf32, #tpu.memory_space<vmem>> -> memref<1x64xf32, #tpu.memory_space<vmem>>
    %dma_wait3A_1542 = tpu.memref_squeeze %dma_wait3A_1541 : memref<1x64xf32, #tpu.memory_space<vmem>> -> memref<64xf32, #tpu.memory_space<vmem>>
    %dma_wait3A_1543 = tpu.memref_slice %arg3[%add3A_1454] : memref<8192xf32, #tpu.memory_space<hbm>> -> memref<64xf32, #tpu.memory_space<hbm>>
    %dma_wait3A_1544 = tpu.memref_slice %arg3[%add3A_1454] : memref<8192xf32, #tpu.memory_space<hbm>> -> memref<64xf32, #tpu.memory_space<hbm>>
    %dma_wait3A_1545 = arith.constant 0 : i32
    %dma_wait3A_1546 = tpu.memref_slice %arg5[%dma_wait3A_1539, %dma_wait3A_1545] : memref<8x64xf32, #tpu.memory_space<vmem>> -> memref<1x64xf32, #tpu.memory_space<vmem>>
    %dma_wait3A_1547 = tpu.memref_squeeze %dma_wait3A_1546 : memref<1x64xf32, #tpu.memory_space<vmem>> -> memref<64xf32, #tpu.memory_space<vmem>>
    tpu.wait_dma2 semaphore(%arg7 : memref<!tpu.dma_semaphore, #tpu.memory_space<semaphore_mem>>) src(%dma_wait3A_1547 : memref<64xf32, #tpu.memory_space<vmem>>) dst(%dma_wait3A_1544 : memref<64xf32, #tpu.memory_space<hbm>>)
    %dma_wait3A_1548 = arith.constant 2 : i32
    %dma_wait3A_1549 = arith.constant 0 : i32
    %dma_wait3A_1550 = tpu.memref_slice %arg5[%dma_wait3A_1548, %dma_wait3A_1549] : memref<8x64xf32, #tpu.memory_space<vmem>> -> memref<1x64xf32, #tpu.memory_space<vmem>>
    %dma_wait3A_1551 = tpu.memref_squeeze %dma_wait3A_1550 : memref<1x64xf32, #tpu.memory_space<vmem>> -> memref<64xf32, #tpu.memory_space<vmem>>
    %dma_wait3A_1552 = tpu.memref_slice %arg3[%add3A_1465] : memref<8192xf32, #tpu.memory_space<hbm>> -> memref<64xf32, #tpu.memory_space<hbm>>
    %dma_wait3A_1553 = tpu.memref_slice %arg3[%add3A_1465] : memref<8192xf32, #tpu.memory_space<hbm>> -> memref<64xf32, #tpu.memory_space<hbm>>
    %dma_wait3A_1554 = arith.constant 0 : i32
    %dma_wait3A_1555 = tpu.memref_slice %arg5[%dma_wait3A_1548, %dma_wait3A_1554] : memref<8x64xf32, #tpu.memory_space<vmem>> -> memref<1x64xf32, #tpu.memory_space<vmem>>
    %dma_wait3A_1556 = tpu.memref_squeeze %dma_wait3A_1555 : memref<1x64xf32, #tpu.memory_space<vmem>> -> memref<64xf32, #tpu.memory_space<vmem>>
    tpu.wait_dma2 semaphore(%arg7 : memref<!tpu.dma_semaphore, #tpu.memory_space<semaphore_mem>>) src(%dma_wait3A_1556 : memref<64xf32, #tpu.memory_space<vmem>>) dst(%dma_wait3A_1553 : memref<64xf32, #tpu.memory_space<hbm>>)
    %dma_wait3A_1557 = arith.constant 3 : i32
    %dma_wait3A_1558 = arith.constant 0 : i32
    %dma_wait3A_1559 = tpu.memref_slice %arg5[%dma_wait3A_1557, %dma_wait3A_1558] : memref<8x64xf32, #tpu.memory_space<vmem>> -> memref<1x64xf32, #tpu.memory_space<vmem>>
    %dma_wait3A_1560 = tpu.memref_squeeze %dma_wait3A_1559 : memref<1x64xf32, #tpu.memory_space<vmem>> -> memref<64xf32, #tpu.memory_space<vmem>>
    %dma_wait3A_1561 = tpu.memref_slice %arg3[%add3A_1476] : memref<8192xf32, #tpu.memory_space<hbm>> -> memref<64xf32, #tpu.memory_space<hbm>>
    %dma_wait3A_1562 = tpu.memref_slice %arg3[%add3A_1476] : memref<8192xf32, #tpu.memory_space<hbm>> -> memref<64xf32, #tpu.memory_space<hbm>>
    %dma_wait3A_1563 = arith.constant 0 : i32
    %dma_wait3A_1564 = tpu.memref_slice %arg5[%dma_wait3A_1557, %dma_wait3A_1563] : memref<8x64xf32, #tpu.memory_space<vmem>> -> memref<1x64xf32, #tpu.memory_space<vmem>>
    %dma_wait3A_1565 = tpu.memref_squeeze %dma_wait3A_1564 : memref<1x64xf32, #tpu.memory_space<vmem>> -> memref<64xf32, #tpu.memory_space<vmem>>
    tpu.wait_dma2 semaphore(%arg7 : memref<!tpu.dma_semaphore, #tpu.memory_space<semaphore_mem>>) src(%dma_wait3A_1565 : memref<64xf32, #tpu.memory_space<vmem>>) dst(%dma_wait3A_1562 : memref<64xf32, #tpu.memory_space<hbm>>)
    %dma_wait3A_1566 = arith.constant 4 : i32
    %dma_wait3A_1567 = arith.constant 0 : i32
    %dma_wait3A_1568 = tpu.memref_slice %arg5[%dma_wait3A_1566, %dma_wait3A_1567] : memref<8x64xf32, #tpu.memory_space<vmem>> -> memref<1x64xf32, #tpu.memory_space<vmem>>
    %dma_wait3A_1569 = tpu.memref_squeeze %dma_wait3A_1568 : memref<1x64xf32, #tpu.memory_space<vmem>> -> memref<64xf32, #tpu.memory_space<vmem>>
    %dma_wait3A_1570 = tpu.memref_slice %arg3[%add3A_1487] : memref<8192xf32, #tpu.memory_space<hbm>> -> memref<64xf32, #tpu.memory_space<hbm>>
    %dma_wait3A_1571 = tpu.memref_slice %arg3[%add3A_1487] : memref<8192xf32, #tpu.memory_space<hbm>> -> memref<64xf32, #tpu.memory_space<hbm>>
    %dma_wait3A_1572 = arith.constant 0 : i32
    %dma_wait3A_1573 = tpu.memref_slice %arg5[%dma_wait3A_1566, %dma_wait3A_1572] : memref<8x64xf32, #tpu.memory_space<vmem>> -> memref<1x64xf32, #tpu.memory_space<vmem>>
    %dma_wait3A_1574 = tpu.memref_squeeze %dma_wait3A_1573 : memref<1x64xf32, #tpu.memory_space<vmem>> -> memref<64xf32, #tpu.memory_space<vmem>>
    tpu.wait_dma2 semaphore(%arg7 : memref<!tpu.dma_semaphore, #tpu.memory_space<semaphore_mem>>) src(%dma_wait3A_1574 : memref<64xf32, #tpu.memory_space<vmem>>) dst(%dma_wait3A_1571 : memref<64xf32, #tpu.memory_space<hbm>>)
    %dma_wait3A_1575 = arith.constant 5 : i32
    %dma_wait3A_1576 = arith.constant 0 : i32
    %dma_wait3A_1577 = tpu.memref_slice %arg5[%dma_wait3A_1575, %dma_wait3A_1576] : memref<8x64xf32, #tpu.memory_space<vmem>> -> memref<1x64xf32, #tpu.memory_space<vmem>>
    %dma_wait3A_1578 = tpu.memref_squeeze %dma_wait3A_1577 : memref<1x64xf32, #tpu.memory_space<vmem>> -> memref<64xf32, #tpu.memory_space<vmem>>
    %dma_wait3A_1579 = tpu.memref_slice %arg3[%add3A_1498] : memref<8192xf32, #tpu.memory_space<hbm>> -> memref<64xf32, #tpu.memory_space<hbm>>
    %dma_wait3A_1580 = tpu.memref_slice %arg3[%add3A_1498] : memref<8192xf32, #tpu.memory_space<hbm>> -> memref<64xf32, #tpu.memory_space<hbm>>
    %dma_wait3A_1581 = arith.constant 0 : i32
    %dma_wait3A_1582 = tpu.memref_slice %arg5[%dma_wait3A_1575, %dma_wait3A_1581] : memref<8x64xf32, #tpu.memory_space<vmem>> -> memref<1x64xf32, #tpu.memory_space<vmem>>
    %dma_wait3A_1583 = tpu.memref_squeeze %dma_wait3A_1582 : memref<1x64xf32, #tpu.memory_space<vmem>> -> memref<64xf32, #tpu.memory_space<vmem>>
    tpu.wait_dma2 semaphore(%arg7 : memref<!tpu.dma_semaphore, #tpu.memory_space<semaphore_mem>>) src(%dma_wait3A_1583 : memref<64xf32, #tpu.memory_space<vmem>>) dst(%dma_wait3A_1580 : memref<64xf32, #tpu.memory_space<hbm>>)
    %dma_wait3A_1584 = arith.constant 6 : i32
    %dma_wait3A_1585 = arith.constant 0 : i32
    %dma_wait3A_1586 = tpu.memref_slice %arg5[%dma_wait3A_1584, %dma_wait3A_1585] : memref<8x64xf32, #tpu.memory_space<vmem>> -> memref<1x64xf32, #tpu.memory_space<vmem>>
    %dma_wait3A_1587 = tpu.memref_squeeze %dma_wait3A_1586 : memref<1x64xf32, #tpu.memory_space<vmem>> -> memref<64xf32, #tpu.memory_space<vmem>>
    %dma_wait3A_1588 = tpu.memref_slice %arg3[%add3A_1509] : memref<8192xf32, #tpu.memory_space<hbm>> -> memref<64xf32, #tpu.memory_space<hbm>>
    %dma_wait3A_1589 = tpu.memref_slice %arg3[%add3A_1509] : memref<8192xf32, #tpu.memory_space<hbm>> -> memref<64xf32, #tpu.memory_space<hbm>>
    %dma_wait3A_1590 = arith.constant 0 : i32
    %dma_wait3A_1591 = tpu.memref_slice %arg5[%dma_wait3A_1584, %dma_wait3A_1590] : memref<8x64xf32, #tpu.memory_space<vmem>> -> memref<1x64xf32, #tpu.memory_space<vmem>>
    %dma_wait3A_1592 = tpu.memref_squeeze %dma_wait3A_1591 : memref<1x64xf32, #tpu.memory_space<vmem>> -> memref<64xf32, #tpu.memory_space<vmem>>
    tpu.wait_dma2 semaphore(%arg7 : memref<!tpu.dma_semaphore, #tpu.memory_space<semaphore_mem>>) src(%dma_wait3A_1592 : memref<64xf32, #tpu.memory_space<vmem>>) dst(%dma_wait3A_1589 : memref<64xf32, #tpu.memory_space<hbm>>)
    %dma_wait3A_1593 = arith.constant 7 : i32
    %dma_wait3A_1594 = arith.constant 0 : i32
    %dma_wait3A_1595 = tpu.memref_slice %arg5[%dma_wait3A_1593, %dma_wait3A_1594] : memref<8x64xf32, #tpu.memory_space<vmem>> -> memref<1x64xf32, #tpu.memory_space<vmem>>
    %dma_wait3A_1596 = tpu.memref_squeeze %dma_wait3A_1595 : memref<1x64xf32, #tpu.memory_space<vmem>> -> memref<64xf32, #tpu.memory_space<vmem>>
    %dma_wait3A_1597 = tpu.memref_slice %arg3[%add3A_1520] : memref<8192xf32, #tpu.memory_space<hbm>> -> memref<64xf32, #tpu.memory_space<hbm>>
    %dma_wait3A_1598 = tpu.memref_slice %arg3[%add3A_1520] : memref<8192xf32, #tpu.memory_space<hbm>> -> memref<64xf32, #tpu.memory_space<hbm>>
    %dma_wait3A_1599 = arith.constant 0 : i32
    %dma_wait3A_1600 = tpu.memref_slice %arg5[%dma_wait3A_1593, %dma_wait3A_1599] : memref<8x64xf32, #tpu.memory_space<vmem>> -> memref<1x64xf32, #tpu.memory_space<vmem>>
    %dma_wait3A_1601 = tpu.memref_squeeze %dma_wait3A_1600 : memref<1x64xf32, #tpu.memory_space<vmem>> -> memref<64xf32, #tpu.memory_space<vmem>>
    tpu.wait_dma2 semaphore(%arg7 : memref<!tpu.dma_semaphore, #tpu.memory_space<semaphore_mem>>) src(%dma_wait3A_1601 : memref<64xf32, #tpu.memory_space<vmem>>) dst(%dma_wait3A_1598 : memref<64xf32, #tpu.memory_space<hbm>>)
    return
  }
}

module attributes {stable_mosaic.version = 14 : i64} {
  func.func @_gating_body(%arg0: memref<1024x1024xf32, #tpu.memory_space<vmem>>, %arg1: memref<1024x512xf32, #tpu.memory_space<vmem>>, %arg2: memref<1x512xf32, #tpu.memory_space<vmem>>, %arg3: memref<512x8xf32, #tpu.memory_space<vmem>>, %arg4: memref<1x8xf32, #tpu.memory_space<vmem>>, %arg5: memref<1024x8xf32, #tpu.memory_space<vmem>>, %arg6: memref<8x1024xf32, #tpu.memory_space<vmem>>) attributes {dimension_semantics = [], scalar_prefetch = 0 : i64, scratch_operands = 0 : i64, tpu.core_type = #tpu.core_type<tc>} {
    %get3A = arith.constant 0 : index
    %get3A_0 = arith.constant 0 : index
    %get3A_1 = vector.load %arg0[%get3A, %get3A_0] : memref<1024x1024xf32, #tpu.memory_space<vmem>>, vector<1024x1024xf32>
    %get3A_2 = arith.constant 0 : index
    %get3A_3 = arith.constant 0 : index
    %get3A_4 = vector.load %arg1[%get3A_2, %get3A_3] : memref<1024x512xf32, #tpu.memory_space<vmem>>, vector<1024x512xf32>
    %dot_general3A = arith.constant dense<0.000000e+00> : vector<1024x512xf32>
    %dot_general3A_5 = tpu.matmul %get3A_1, %get3A_4, %dot_general3A {dimension_numbers = #tpu.dot_dimension_numbers<[1], [0], [0], [1], [0, 0, 1, 1], [], []>, transpose_lhs_hint = false} : vector<1024x1024xf32>, vector<1024x512xf32>, vector<1024x512xf32> -> vector<1024x512xf32>
    %get3A_6 = arith.constant 0 : index
    %get3A_7 = arith.constant 0 : index
    %get3A_8 = vector.load %arg2[%get3A_6, %get3A_7] : memref<1x512xf32, #tpu.memory_space<vmem>>, vector<1x512xf32>
    %add3A = vector.broadcast %get3A_8 : vector<1x512xf32> to vector<1024x512xf32>
    %add3A_9 = arith.addf %dot_general3A_5, %add3A : vector<1024x512xf32>
    %max3A = arith.constant 0.000000e+00 : f32
    %max3A_10 = vector.broadcast %max3A : f32 to vector<1024x512xf32>
    %max3A_11 = arith.maximumf %add3A_9, %max3A_10 : vector<1024x512xf32>
    %get3A_12 = arith.constant 0 : index
    %get3A_13 = arith.constant 0 : index
    %get3A_14 = vector.load %arg3[%get3A_12, %get3A_13] : memref<512x8xf32, #tpu.memory_space<vmem>>, vector<512x8xf32>
    %dot_general3A_15 = arith.constant dense<0.000000e+00> : vector<1024x8xf32>
    %dot_general3A_16 = tpu.matmul %max3A_11, %get3A_14, %dot_general3A_15 {dimension_numbers = #tpu.dot_dimension_numbers<[1], [0], [0], [1], [0, 0, 1, 1], [], []>, transpose_lhs_hint = false} : vector<1024x512xf32>, vector<512x8xf32>, vector<1024x8xf32> -> vector<1024x8xf32>
    %get3A_17 = arith.constant 0 : index
    %get3A_18 = arith.constant 0 : index
    %get3A_19 = vector.load %arg4[%get3A_17, %get3A_18] : memref<1x8xf32, #tpu.memory_space<vmem>>, vector<1x8xf32>
    %add3A_20 = vector.broadcast %get3A_19 : vector<1x8xf32> to vector<1024x8xf32>
    %add3A_21 = arith.addf %dot_general3A_16, %add3A_20 : vector<1024x8xf32>
    %reduce_max3A = arith.constant dense<0xFF800000> : vector<1024xf32>
    %reduce_max3A_22 = vector.multi_reduction <maximumf>, %add3A_21, %reduce_max3A [1] : vector<1024x8xf32> to vector<1024xf32>
    %broadcast_in_dim3A = vector.shape_cast %reduce_max3A_22 : vector<1024xf32> to vector<1024x1xf32>
    %sub3A = vector.broadcast %broadcast_in_dim3A : vector<1024x1xf32> to vector<1024x8xf32>
    %sub3A_23 = arith.subf %add3A_21, %sub3A : vector<1024x8xf32>
    %exp3A = math.exp %sub3A_23 : vector<1024x8xf32>
    %reduce_sum3A = arith.constant dense<0.000000e+00> : vector<1024xf32>
    %reduce_sum3A_24 = vector.multi_reduction <add>, %exp3A, %reduce_sum3A [1] : vector<1024x8xf32> to vector<1024xf32>
    %broadcast_in_dim3A_25 = vector.shape_cast %reduce_sum3A_24 : vector<1024xf32> to vector<1024x1xf32>
    %div3A = vector.broadcast %broadcast_in_dim3A_25 : vector<1024x1xf32> to vector<1024x8xf32>
    %div3A_26 = arith.divf %exp3A, %div3A : vector<1024x8xf32>
    %swap3A = arith.constant 0 : index
    %swap3A_27 = arith.constant 0 : index
    %swap3A_28 = vector.load %arg5[%swap3A, %swap3A_27] : memref<1024x8xf32, #tpu.memory_space<vmem>>, vector<1024x8xf32>
    tpu.vector_store %arg5[%swap3A, %swap3A_27], %div3A_26 {strides = array<i32>} : memref<1024x8xf32, #tpu.memory_space<vmem>>, vector<1024x8xf32>,
    %transpose3A = tpu.transpose %div3A_26, [1, 0] : vector<1024x8xf32> -> vector<8x1024xf32>
    %swap3A_29 = arith.constant 0 : index
    %swap3A_30 = arith.constant 0 : index
    %swap3A_31 = vector.load %arg6[%swap3A_29, %swap3A_30] : memref<8x1024xf32, #tpu.memory_space<vmem>>, vector<8x1024xf32>
    tpu.vector_store %arg6[%swap3A_29, %swap3A_30], %transpose3A {strides = array<i32>} : memref<8x1024xf32, #tpu.memory_space<vmem>>, vector<8x1024xf32>,
    return
  }
}

module attributes {stable_mosaic.version = 14 : i64} {
  func.func @_moe_body(%arg0: i32, %arg1: memref<1024x1024xf32, #tpu.memory_space<vmem>>, %arg2: memref<1x1024x1024xf32, #tpu.memory_space<vmem>>, %arg3: memref<1x1x1024xf32, #tpu.memory_space<vmem>>, %arg4: memref<1x1024x1024xf32, #tpu.memory_space<vmem>>, %arg5: memref<1x1x1024xf32, #tpu.memory_space<vmem>>, %arg6: memref<8x1024xf32, #tpu.memory_space<vmem>>, %arg7: memref<1024x512xf32, #tpu.memory_space<vmem>>, %arg8: memref<1x512xf32, #tpu.memory_space<vmem>>, %arg9: memref<512x3xf32, #tpu.memory_space<vmem>>, %arg10: memref<1x3xf32, #tpu.memory_space<vmem>>, %arg11: memref<1024x3xf32, #tpu.memory_space<vmem>>, %arg12: memref<1024x1024xf32, #tpu.memory_space<vmem>>) attributes {dimension_semantics = [#tpu.dimension_semantics<arbitrary>], iteration_bounds = array<i64: 8>, scalar_prefetch = 0 : i64, scratch_operands = 1 : i64, tpu.core_type = #tpu.core_type<tc>, window_params = [{pipeline_mode = #tpu.pipeline_mode<synchronous>, transform_indices = @transform_0, window_bounds = array<i64: 1024, 1024>}, {transform_indices = @transform_1, window_bounds = array<i64: 1, 1024, 1024>}, {transform_indices = @transform_2, window_bounds = array<i64: 1, 1, 1024>}, {transform_indices = @transform_3, window_bounds = array<i64: 1, 1024, 1024>}, {transform_indices = @transform_4, window_bounds = array<i64: 1, 1, 1024>}, {pipeline_mode = #tpu.pipeline_mode<synchronous>, transform_indices = @transform_5, window_bounds = array<i64: 8, 1024>}, {pipeline_mode = #tpu.pipeline_mode<synchronous>, transform_indices = @transform_6, window_bounds = array<i64: 1024, 512>}, {pipeline_mode = #tpu.pipeline_mode<synchronous>, transform_indices = @transform_7, window_bounds = array<i64: 1, 512>}, {pipeline_mode = #tpu.pipeline_mode<synchronous>, transform_indices = @transform_8, window_bounds = array<i64: 512, 3>}, {pipeline_mode = #tpu.pipeline_mode<synchronous>, transform_indices = @transform_9, window_bounds = array<i64: 1, 3>}, {pipeline_mode = #tpu.pipeline_mode<synchronous>, transform_indices = @transform_10, window_bounds = array<i64: 1024, 3>}]} {
    %get3A = arith.constant 0 : index
    %get3A_0 = arith.constant 0 : index
    %get3A_1 = vector.load %arg1[%get3A, %get3A_0] : memref<1024x1024xf32, #tpu.memory_space<vmem>>, vector<1024x1024xf32>
    %get3A_2 = arith.constant 0 : index
    %get3A_3 = arith.constant 0 : index
    %get3A_4 = arith.constant 0 : index
    %get3A_5 = vector.load %arg2[%get3A_2, %get3A_3, %get3A_4] : memref<1x1024x1024xf32, #tpu.memory_space<vmem>>, vector<1x1024x1024xf32>
    %get3A_6 = vector.shape_cast %get3A_5 : vector<1x1024x1024xf32> to vector<1024x1024xf32>
    %dot_general3A = arith.constant dense<0.000000e+00> : vector<1024x1024xf32>
    %dot_general3A_7 = tpu.matmul %get3A_1, %get3A_6, %dot_general3A {dimension_numbers = #tpu.dot_dimension_numbers<[1], [0], [0], [1], [0, 0, 1, 1], [], []>, transpose_lhs_hint = false} : vector<1024x1024xf32>, vector<1024x1024xf32>, vector<1024x1024xf32> -> vector<1024x1024xf32>
    %get3A_8 = arith.constant 0 : index
    %get3A_9 = arith.constant 0 : index
    %get3A_10 = arith.constant 0 : index
    %get3A_11 = vector.load %arg3[%get3A_8, %get3A_9, %get3A_10] : memref<1x1x1024xf32, #tpu.memory_space<vmem>>, vector<1x1x1024xf32>
    %get3A_12 = vector.shape_cast %get3A_11 : vector<1x1x1024xf32> to vector<1x1024xf32>
    %add3A = vector.broadcast %get3A_12 : vector<1x1024xf32> to vector<1024x1024xf32>
    %add3A_13 = arith.addf %dot_general3A_7, %add3A : vector<1024x1024xf32>
    %max3A = arith.constant 0.000000e+00 : f32
    %max3A_14 = vector.broadcast %max3A : f32 to vector<1024x1024xf32>
    %max3A_15 = arith.maximumf %add3A_13, %max3A_14 : vector<1024x1024xf32>
    %get3A_16 = arith.constant 0 : index
    %get3A_17 = arith.constant 0 : index
    %get3A_18 = arith.constant 0 : index
    %get3A_19 = vector.load %arg4[%get3A_16, %get3A_17, %get3A_18] : memref<1x1024x1024xf32, #tpu.memory_space<vmem>>, vector<1x1024x1024xf32>
    %get3A_20 = vector.shape_cast %get3A_19 : vector<1x1024x1024xf32> to vector<1024x1024xf32>
    %dot_general3A_21 = arith.constant dense<0.000000e+00> : vector<1024x1024xf32>
    %dot_general3A_22 = tpu.matmul %max3A_15, %get3A_20, %dot_general3A_21 {dimension_numbers = #tpu.dot_dimension_numbers<[1], [0], [0], [1], [0, 0, 1, 1], [], []>, transpose_lhs_hint = false} : vector<1024x1024xf32>, vector<1024x1024xf32>, vector<1024x1024xf32> -> vector<1024x1024xf32>
    %get3A_23 = arith.constant 0 : index
    %get3A_24 = arith.constant 0 : index
    %get3A_25 = arith.constant 0 : index
    %get3A_26 = vector.load %arg5[%get3A_23, %get3A_24, %get3A_25] : memref<1x1x1024xf32, #tpu.memory_space<vmem>>, vector<1x1x1024xf32>
    %get3A_27 = vector.shape_cast %get3A_26 : vector<1x1x1024xf32> to vector<1x1024xf32>
    %add3A_28 = vector.broadcast %get3A_27 : vector<1x1024xf32> to vector<1024x1024xf32>
    %add3A_29 = arith.addf %dot_general3A_22, %add3A_28 : vector<1024x1024xf32>
    %iota3A = tpu.iota {dimensions = array<i32: 0>} : vector<8x1024xi32>
    %eq3A = vector.broadcast %arg0 : i32 to vector<8x1024xi32>
    %eq3A_30 = arith.cmpi eq, %iota3A, %eq3A : vector<8x1024xi32>
    %get3A_31 = arith.constant 0 : index
    %get3A_32 = arith.constant 0 : index
    %get3A_33 = vector.load %arg6[%get3A_31, %get3A_32] : memref<8x1024xf32, #tpu.memory_space<vmem>>, vector<8x1024xf32>
    %jit3A = arith.constant 0.000000e+00 : f32
    %broadcast_in_dim3A = vector.broadcast %jit3A : f32 to vector<8x1024xf32>
    %select_n3A = arith.select %eq3A_30, %get3A_33, %broadcast_in_dim3A : vector<8x1024xi1>, vector<8x1024xf32>
    %reduce_sum3A = arith.constant dense<0.000000e+00> : vector<1024xf32>
    %reduce_sum3A_34 = vector.multi_reduction <add>, %select_n3A, %reduce_sum3A [0] : vector<8x1024xf32> to vector<1024xf32>
    %broadcast_in_dim3A_35 = vector.shape_cast %reduce_sum3A_34 : vector<1024xf32> to vector<1x1024xf32>
    %transpose3A = tpu.transpose %broadcast_in_dim3A_35, [1, 0] : vector<1x1024xf32> -> vector<1024x1xf32>
    %mul3A = vector.broadcast %transpose3A : vector<1024x1xf32> to vector<1024x1024xf32>
    %mul3A_36 = arith.mulf %mul3A, %add3A_29 : vector<1024x1024xf32>
    %eq3A_37 = arith.constant 0 : i32
    %eq3A_38 = arith.cmpi eq, %arg0, %eq3A_37 : i32
    %convert_element_type3A = arith.extui %eq3A_38 : i1 to i32
    %cond3A = arith.constant 0 : i32
    %cond3A_39 = arith.cmpi ne, %convert_element_type3A, %cond3A : i32
    scf.if %cond3A_39 {
      %swap3A = arith.constant 0 : index
      %swap3A_49 = arith.constant 0 : index
      %swap3A_50 = vector.load %arg12[%swap3A, %swap3A_49] : memref<1024x1024xf32, #tpu.memory_space<vmem>>, vector<1024x1024xf32>
      tpu.vector_store %arg12[%swap3A, %swap3A_49], %mul3A_36 {strides = array<i32>} : memref<1024x1024xf32, #tpu.memory_space<vmem>>, vector<1024x1024xf32>,
    } else {
    }
    %ne3A = arith.constant 0 : i32
    %ne3A_40 = arith.cmpi ne, %arg0, %ne3A : i32
    %convert_element_type3A_41 = arith.extui %ne3A_40 : i1 to i32
    %cond3A_42 = arith.constant 0 : i32
    %cond3A_43 = arith.cmpi ne, %convert_element_type3A_41, %cond3A_42 : i32
    scf.if %cond3A_43 {
      %get3A_49 = arith.constant 0 : index
      %get3A_50 = arith.constant 0 : index
      %get3A_51 = vector.load %arg12[%get3A_49, %get3A_50] : memref<1024x1024xf32, #tpu.memory_space<vmem>>, vector<1024x1024xf32>
      %add3A_52 = arith.addf %get3A_51, %mul3A_36 : vector<1024x1024xf32>
      %swap3A = arith.constant 0 : index
      %swap3A_53 = arith.constant 0 : index
      %swap3A_54 = vector.load %arg12[%swap3A, %swap3A_53] : memref<1024x1024xf32, #tpu.memory_space<vmem>>, vector<1024x1024xf32>
      tpu.vector_store %arg12[%swap3A, %swap3A_53], %add3A_52 {strides = array<i32>} : memref<1024x1024xf32, #tpu.memory_space<vmem>>, vector<1024x1024xf32>,
    } else {
    }
    %eq3A_44 = arith.constant 7 : i32
    %eq3A_45 = arith.cmpi eq, %arg0, %eq3A_44 : i32
    %convert_element_type3A_46 = arith.extui %eq3A_45 : i1 to i32
    %cond3A_47 = arith.constant 0 : i32
    %cond3A_48 = arith.cmpi ne, %convert_element_type3A_46, %cond3A_47 : i32
    scf.if %cond3A_48 {
      %get3A_49 = arith.constant 0 : index
      %get3A_50 = arith.constant 0 : index
      %get3A_51 = vector.load %arg12[%get3A_49, %get3A_50] : memref<1024x1024xf32, #tpu.memory_space<vmem>>, vector<1024x1024xf32>
      %get3A_52 = arith.constant 0 : index
      %get3A_53 = arith.constant 0 : index
      %get3A_54 = vector.load %arg7[%get3A_52, %get3A_53] : memref<1024x512xf32, #tpu.memory_space<vmem>>, vector<1024x512xf32>
      %dot_general3A_55 = arith.constant dense<0.000000e+00> : vector<1024x512xf32>
      %dot_general3A_56 = tpu.matmul %get3A_51, %get3A_54, %dot_general3A_55 {dimension_numbers = #tpu.dot_dimension_numbers<[1], [0], [0], [1], [0, 0, 1, 1], [], []>, transpose_lhs_hint = false} : vector<1024x1024xf32>, vector<1024x512xf32>, vector<1024x512xf32> -> vector<1024x512xf32>
      %get3A_57 = arith.constant 0 : index
      %get3A_58 = arith.constant 0 : index
      %get3A_59 = vector.load %arg8[%get3A_57, %get3A_58] : memref<1x512xf32, #tpu.memory_space<vmem>>, vector<1x512xf32>
      %add3A_60 = vector.broadcast %get3A_59 : vector<1x512xf32> to vector<1024x512xf32>
      %add3A_61 = arith.addf %dot_general3A_56, %add3A_60 : vector<1024x512xf32>
      %max3A_62 = arith.constant 0.000000e+00 : f32
      %max3A_63 = vector.broadcast %max3A_62 : f32 to vector<1024x512xf32>
      %max3A_64 = arith.maximumf %add3A_61, %max3A_63 : vector<1024x512xf32>
      %get3A_65 = arith.constant 0 : index
      %get3A_66 = arith.constant 0 : index
      %get3A_67 = vector.load %arg9[%get3A_65, %get3A_66] : memref<512x3xf32, #tpu.memory_space<vmem>>, vector<512x3xf32>
      %dot_general3A_68 = arith.constant dense<0.000000e+00> : vector<1024x3xf32>
      %dot_general3A_69 = tpu.matmul %max3A_64, %get3A_67, %dot_general3A_68 {dimension_numbers = #tpu.dot_dimension_numbers<[1], [0], [0], [1], [0, 0, 1, 1], [], []>, transpose_lhs_hint = false} : vector<1024x512xf32>, vector<512x3xf32>, vector<1024x3xf32> -> vector<1024x3xf32>
      %get3A_70 = arith.constant 0 : index
      %get3A_71 = arith.constant 0 : index
      %get3A_72 = vector.load %arg10[%get3A_70, %get3A_71] : memref<1x3xf32, #tpu.memory_space<vmem>>, vector<1x3xf32>
      %add3A_73 = vector.broadcast %get3A_72 : vector<1x3xf32> to vector<1024x3xf32>
      %add3A_74 = arith.addf %dot_general3A_69, %add3A_73 : vector<1024x3xf32>
      %swap3A = arith.constant 0 : index
      %swap3A_75 = arith.constant 0 : index
      %swap3A_76 = vector.load %arg11[%swap3A, %swap3A_75] : memref<1024x3xf32, #tpu.memory_space<vmem>>, vector<1024x3xf32>
      tpu.vector_store %arg11[%swap3A, %swap3A_75], %add3A_74 {strides = array<i32>} : memref<1024x3xf32, #tpu.memory_space<vmem>>, vector<1024x3xf32>,
    } else {
    }
    return
  }
  func.func @transform_0(%arg0: i32) -> (i32, i32) {
    %c0_i32 = arith.constant 0 : i32
    %c0_i32_0 = arith.constant 0 : i32
    %c0_i32_1 = arith.constant 0 : i32
    return %c0_i32, %c0_i32_0 : i32, i32
  }
  func.func @transform_1(%arg0: i32) -> (i32, i32, i32) {
    %c0_i32 = arith.constant 0 : i32
    %c0_i32_0 = arith.constant 0 : i32
    %c0_i32_1 = arith.constant 0 : i32
    return %arg0, %c0_i32, %c0_i32_0 : i32, i32, i32
  }
  func.func @transform_2(%arg0: i32) -> (i32, i32, i32) {
    %c0_i32 = arith.constant 0 : i32
    %c0_i32_0 = arith.constant 0 : i32
    %c0_i32_1 = arith.constant 0 : i32
    return %arg0, %c0_i32, %c0_i32_0 : i32, i32, i32
  }
  func.func @transform_3(%arg0: i32) -> (i32, i32, i32) {
    %c0_i32 = arith.constant 0 : i32
    %c0_i32_0 = arith.constant 0 : i32
    %c0_i32_1 = arith.constant 0 : i32
    return %arg0, %c0_i32, %c0_i32_0 : i32, i32, i32
  }
  func.func @transform_4(%arg0: i32) -> (i32, i32, i32) {
    %c0_i32 = arith.constant 0 : i32
    %c0_i32_0 = arith.constant 0 : i32
    %c0_i32_1 = arith.constant 0 : i32
    return %arg0, %c0_i32, %c0_i32_0 : i32, i32, i32
  }
  func.func @transform_5(%arg0: i32) -> (i32, i32) {
    %c0_i32 = arith.constant 0 : i32
    %c0_i32_0 = arith.constant 0 : i32
    %c0_i32_1 = arith.constant 0 : i32
    return %c0_i32, %c0_i32_0 : i32, i32
  }
  func.func @transform_6(%arg0: i32) -> (i32, i32) {
    %c0_i32 = arith.constant 0 : i32
    %c0_i32_0 = arith.constant 0 : i32
    %c0_i32_1 = arith.constant 0 : i32
    return %c0_i32, %c0_i32_0 : i32, i32
  }
  func.func @transform_7(%arg0: i32) -> (i32, i32) {
    %c0_i32 = arith.constant 0 : i32
    %c0_i32_0 = arith.constant 0 : i32
    %c0_i32_1 = arith.constant 0 : i32
    return %c0_i32, %c0_i32_0 : i32, i32
  }
  func.func @transform_8(%arg0: i32) -> (i32, i32) {
    %c0_i32 = arith.constant 0 : i32
    %c0_i32_0 = arith.constant 0 : i32
    %c0_i32_1 = arith.constant 0 : i32
    return %c0_i32, %c0_i32_0 : i32, i32
  }
  func.func @transform_9(%arg0: i32) -> (i32, i32) {
    %c0_i32 = arith.constant 0 : i32
    %c0_i32_0 = arith.constant 0 : i32
    %c0_i32_1 = arith.constant 0 : i32
    return %c0_i32, %c0_i32_0 : i32, i32
  }
  func.func @transform_10(%arg0: i32) -> (i32, i32) {
    %c0_i32 = arith.constant 0 : i32
    %c0_i32_0 = arith.constant 0 : i32
    %c0_i32_1 = arith.constant 0 : i32
    return %c0_i32, %c0_i32_0 : i32, i32
  }
}

</mosaic_0001>

<sc_bundles>
// kernel: kernel.5.cloned.1.call-start
scs
__scs_entry_jumppad:
0x0: {  	(pc) =	sbr.rel $0x88, $3  }
0x1: {  	(tag) =	ssettag $0x0;
	lr =	simm.s32 $0x1  }
0x2: {  	[smem:$0x3F94] =	sst lr;
	_ =	strace $0xD0000000  }
0x3: {  	_ = 	snop  }
0x4: {  	_ = 	snop  }
0x5: {  	_ = 	snop  }
0x6: {  	_ = 	snop  }
0x7: {  	_ = 	snop  }
__scs_overlays_trampoline_lowered:
0x8: {  	[smem:$0x3FA3] =	sst s0  }
0x9: {  	[smem:$0x3FA4] =	sst s1  }
0xa: {  	[smem:$0x3FA5] =	sst s2  }
0xb: {  	[smem:$0x3FA6] =	sst s3  }
0xc: {  	[smem:$0x3FA7] =	sst s4  }
0xd: {  	[smem:$0x3FA8] =	sst s5  }
0xe: {  	[smem:$0x3FA9] =	sst s6  }
0xf: {  	[smem:$0x3FAA] =	sst s7  }
0x10: {  	[smem:$0x3FAB] =	sst s8  }
0x11: {  	[smem:$0x3FAC] =	sst s9;
	s0 =	simm.s32 @!p0 $0x0  }
0x12: {  	s1 =	sld [smem:$0x3F92];
	s0 =	simm.s32 @p0 $0x1  }
0x13: {  	[smem:$0x3FAD] =	sst s0;
	s0 =	simm.s32 @!p1 $0x0  }
0x14: {  	s2 =	sld [smem:$0x3F91];
	s0 =	simm.s32 @p1 $0x1  }
0x15: {  	[smem:$0x3FAE] =	sst s0;
	s0 =	simm.s32 @!p2 $0x0  }
0x16: {  	s3 =	sld [smem:$0x3FDB];
	s0 =	simm.s32 @p2 $0x1  }
0x17: {  	s4 =	simm.s32 $0x1BF5;
	[smem:$0x3FB0] =	sst s0  }
0x18: {  	s0 =	sld [smem:$0x3F93];
	_ =	swait.ge [sflag:s4], $0x0  }
0x19: {  	s7 =	sld [smem:$0x3F94]  }
0x1a: {  	s8 =	sadd.s32 $0xFFFFE003, lr  }
0x1b: {  	s9 =	sadd.s32 $0xFFFFFEF7, lr;
	s5 =	simm.s32 $0xFFFFFFFF;
	p2 =	slt.u32 s8, $0xFFFFF086  }
0x1c: {  	p1 =	slt.u32 s9, $0xF7A;
	s5 =	simm.s32 @!p2 $0x0  }
0x1d: {  	s5 =	simm.s32 @p1 $0x1;
	p0 =	seq.s32 s7, s2  }
0x1e: {  	s7 =	smul.u32 @!p0 $0xF7A, s2;
	p2 =	seq.s32 @!p0 s5, $0x0  }
0x1f: {  	s9 =	smul.u32 $0xF7A, s1;
	s8 =	simm.s32 @!p0 $0x1BF5;
	p2 =	por !p2, p0  }
0x20: {  	[sflag:s8] =	ssyncset.s32 @!p0 $0xFFFFF086;
	s6 =	sadd.s32 @!p0 s3, s7;
	s7 =	simm.s32 @!p0 $0x108  }
0x21: {  	s3 =	sadd.s32 s3, s9;
	s6 =	sadd.s32 @!p0 $0x88, s6;
	s7 =	simm.s32 @p2 $0x1082  }
0x22: {  	[simem:s7], [sflag:s8] =	dma.local @!p0 [hbm:s6], $0xF7A  }
0x23: {  	s9 =	sor.u32 $0xD0000000, s2;
	s6 =	simm.s32 $0x108;
	_ =	swait.ge @!p0 [sflag:s8], $0x0  }
0x24: {  	s3 =	sadd.s32 $0x88, s3;
	s6 =	simm.s32 @!p1 $0x1082;
	[sflag:s4] =	ssyncset.s32 $0xFFFFF086  }
0x25: {  	[simem:s6], [sflag:s4] =	dma.local [hbm:s3], $0xF7A  }
0x26: {  	[smem:$0x3F94] =	sst s1;
	(tag) =	ssettag s2;
	_ =	strace s9  }
0x27: {  	s1 =	sld [smem:$0x3FA4]  }
0x28: {  	s2 =	sld [smem:$0x3FA5]  }
0x29: {  	s4 =	sld [smem:$0x3FA7]  }
0x2a: {  	p0 =	seq.s32 s5, $0x0;
	s5 =	sld [smem:$0x3FA8]  }
0x2b: {  	s6 =	sld [smem:$0x3FA9]  }
0x2c: {  	s7 =	sld [smem:$0x3FAA]  }
0x2d: {  	s3 =	simm.s32 $0x108;
	s8 =	sld [smem:$0x3FAB]  }
0x2e: {  	s3 =	simm.s32 @!p0 $0x1082;
	s9 =	sld [smem:$0x3FAC]  }
0x2f: {  	lr =	sadd.s32 s0, s3;
	s0 =	sld [smem:$0x3FA3]  }
0x30: {  	s3 =	sld [smem:$0x3FA6]  }
0x31: {  	[smem:$0x3FAF] =	sst s10  }
0x32: {  	s10 =	sld [smem:$0x3FAD];
	_ =	sdelay $0x3  }
0x33: {  	p0 =	seq.s32 s10, $0x1;
	s10 =	sld [smem:$0x3FAF];
	_ =	sdelay $0x3  }
0x34: {  	[smem:$0x3FAF] =	sst s10  }
0x35: {  	s10 =	sld [smem:$0x3FAE];
	_ =	sdelay $0x3  }
0x36: {  	p1 =	seq.s32 s10, $0x1;
	s10 =	sld [smem:$0x3FAF];
	_ =	sdelay $0x3  }
0x37: {  	[smem:$0x3FAF] =	sst s10  }
0x38: {  	s10 =	sld [smem:$0x3FB0]  }
0x39: {  	_ = 	snop;
	(pc) =	sbr.ind lr, $3  }
0x3a: {  	_ = 	snop  }
0x3b: {  	_ = 	snop  }
0x3c: {  	p2 =	seq.s32 s10, $0x1;
	s10 =	sld [smem:$0x3FAF]  }
0x3d: {  	_ =	shalt  }
0x3e: {  	_ =	shalt  }
0x3f: {  	_ =	shalt  }
0x40: {  	_ =	shalt  }
0x41: {  	_ =	shalt  }
0x42: {  	_ =	shalt  }
0x43: {  	_ =	shalt  }
0x44: {  	_ =	shalt  }
0x45: {  	_ =	shalt  }
0x46: {  	_ =	shalt  }
0x47: {  	_ =	shalt  }
0x48: {  	_ =	shalt  }
0x49: {  	_ =	shalt  }
0x4a: {  	_ =	shalt  }
0x4b: {  	_ =	shalt  }
0x4c: {  	_ =	shalt  }
0x4d: {  	_ =	shalt  }
0x4e: {  	_ =	shalt  }
0x4f: {  	_ =	shalt  }
0x50: {  	_ =	shalt  }
0x51: {  	_ =	shalt  }
0x52: {  	_ =	shalt  }
0x53: {  	_ =	shalt  }
0x54: {  	_ =	shalt  }
0x55: {  	_ =	shalt  }
0x56: {  	_ =	shalt  }
0x57: {  	_ =	shalt  }
0x58: {  	_ =	shalt  }
0x59: {  	_ =	shalt  }
0x5a: {  	_ =	shalt  }
0x5b: {  	_ =	shalt  }
0x5c: {  	_ =	shalt  }
0x5d: {  	_ =	shalt  }
0x5e: {  	_ =	shalt  }
0x5f: {  	_ =	shalt  }
0x60: {  	_ =	shalt  }
0x61: {  	_ =	shalt  }
0x62: {  	_ =	shalt  }
0x63: {  	_ =	shalt  }
0x64: {  	_ =	shalt  }
0x65: {  	_ =	shalt  }
0x66: {  	_ =	shalt  }
0x67: {  	_ =	shalt  }
0x68: {  	_ =	shalt  }
0x69: {  	_ =	shalt  }
0x6a: {  	_ =	shalt  }
0x6b: {  	_ =	shalt  }
0x6c: {  	_ =	shalt  }
0x6d: {  	_ =	shalt  }
0x6e: {  	_ =	shalt  }
0x6f: {  	_ =	shalt  }
0x70: {  	_ =	shalt  }
0x71: {  	_ =	shalt  }
0x72: {  	_ =	shalt  }
0x73: {  	_ =	shalt  }
0x74: {  	_ =	shalt  }
0x75: {  	_ =	shalt  }
0x76: {  	_ =	shalt  }
0x77: {  	_ =	shalt  }
0x78: {  	_ =	shalt  }
0x79: {  	_ =	shalt  }
0x7a: {  	_ =	shalt  }
0x7b: {  	_ =	shalt  }
0x7c: {  	_ =	shalt  }
0x7d: {  	_ =	shalt  }
0x7e: {  	_ =	shalt  }
0x7f: {  	_ =	shalt  }
0x80: {  	_ =	shalt  }
0x81: {  	_ =	shalt  }
0x82: {  	_ =	shalt  }
0x83: {  	_ =	shalt  }
0x84: {  	_ =	shalt  }
0x85: {  	_ =	shalt  }
0x86: {  	_ =	shalt  }
0x87: {  	_ =	shalt  }
.Lfunc_end0:
.L_simem_size_0:
called_computation_lowered:
.L_overlay_start_0:
0x88: {  	s0 =	sld [smem:$0x3FD9]  }
0x89: {  	s1 =	sld [smem:$0x3FFE];
	_ =	sdelay $0x3  }
0x8a: {  	s0 =	sadd.s32 s1, s0  }
0x8b: {  	[smem:$0x3FBB] =	sst s0  }
0x8c: {  	_ = 	snop  }
0x8d: {  	(tm) =	ssettm $0x1  }
0x8e: {  	s15 =	sld [smem:$0x3FFB];
	_ =	sdelay $0x3  }
0x8f: {  	_ =	strace s15  }
0x90: {  	s0 =	sld [smem:$0x3FFC];
	_ =	sdelay $0x3  }
0x91: {  	_ =	strace s0  }
0x92: {  	s0 =	sld [smem:$0x3FFD];
	_ =	sdelay $0x3  }
0x93: {  	_ =	strace s0  }
0x94: {  	_ =	strace $0x8FFFFFFF  }
0x95: {  	s16 =	sld [smem:$0x3FDB];
	_ =	sdelay $0x1  }
0x96: {  	s17 =	simm.s32 $_scs_section_size  }
0x97: {  	s2 =	simm.s32 $_size__tile_overlayer_lowered;
	s3 =	simm.s32 $_tile_overlayer_lowered  }
0x98: {  	s20 =	simm.s32 $0x1BFF;
	s19 =	sshll.u32 s3, $0x1;
	s0 =	sadd.s32 s17, s16  }
0x99: {  	s4 =	simm.s32 $0x0;
	s18 =	sshll.u32 s2, $0x1;
	s2 =	sadd.s32 s19, s0  }
0x9a: {  	[timem:s4], [sflag:s20] =	dma.local [hbm:s2], s18  }
0x9b: {  	_ =	swait.ge [sflag:s20], s18  }
0x9c: {  	s1 =	ssub.s32 $0x0, s18;
	[sflag:s20] =	ssyncset.done $0x0  }
0x9d: {  	[sflag:s20] =	ssyncadd.s32 s1;
	_ =	sdelay $0x1  }
0x9e: {  	s21 =	simm.s32 $0x1B8B  }
0x9f: {  	_ =	swait.ge [sflag:s21], $0x1  }
0xa0: {  	[sflag:s21] =	ssyncset.done $0x0  }
0xa1: {  	s23 =	simm.s32 $0x1B8E;
	s22 =	sld [smem:$0x3FFE];
	[sflag:s21] =	ssyncadd.s32 $0xFFFFFFFF  }
0xa2: {  	s24 =	simm.s32 $execute0_lowered;
	[smem:$0x3FD2] =	sst s23  }
0xa3: {  	s2 =	sshll.u32 s24, $0x1;
	_ =	strace $0x80000046;
	[dreg:$0x1] =	wrdreg $0xFFFFFFFF  }
0xa4: {  	s25 =	simm.s32 $_size_execute0_lowered;
	s0 =	sadd.s32 s0, s2;
	[dreg:$0x0] =	wrdreg $0x0  }
0xa5: {  	s2 =	sshll.u32 s25, $0x1;
	[dreg:$0x2] =	wrdreg s0  }
0xa6: {  	[dreg:$0x3] =	wrdreg s2  }
0xa7: {  	[dreg:$0x4] =	wrdreg $0xC0  }
0xa8: {  	_ =	task [dreg:s4], $0x5FFFF  }
0xa9: {  	[dreg:$0x1] =	wrdreg $0xFFFFFFFF  }
0xaa: {  	[dreg:$0x0] =	wrdreg $0x60  }
0xab: {  	[dreg:$0x2] =	wrdreg s22  }
0xac: {  	[dreg:$0x3] =	wrdreg $0x9  }
0xad: {  	_ =	task.clear_ibuf [dreg:s4], $0x4FFFF;
	_ =	strace $0x90000046  }
0xae: {  	s26 =	simm.s32 $0x9;
	_ =	strace $0x80000048  }
0xaf: {  	_ =	swait.ge [sflag:s26], $0x1  }
0xb0: {  	[sflag:s26] =	ssyncadd.s32 $0xFFFFFFFF  }
0xb1: {  	_ =	strace $0x90000048  }
0xb2: {  	_ =	sfence  }
0xb3: {  	s28 =	sld [smem:$0x0];
	_ =	sdelay $0x1  }
0xb4: {  	s29 =	srdreg.scid  }
0xb5: {  	s30 =	sshll.u32 s29, $0xD;
	s31 =	sshrl.u32 s29, $0x2  }
0xb6: {  	s1 =	sand.u32 $0x1, s29;
	s2 =	sand.u32 $0x4000, s30;
	s0 =	sadd.s32 s31, s28  }
0xb7: {  	s1 =	sor.u32 s2, s1;
	s0 =	sshll.u32 s0, $0x11  }
0xb8: {  	s0 =	sor.u32 s0, s1  }
0xb9: {  	s0 =	sadd.s32 $0x8F2B, s0  }
0xba: {  	[sflag:s0] =	ssyncadd.remote.s32 $0x1  }
0xbb: {  	_ =	sfence.sel $0xFFFF  }
0xbc: {  	[dreg:$0x0] =	wrdreg $0xFFFFFFFF;
	(pc) =	sbr.abs _section_cstart, $3  }
0xbd: {  	[dreg:$0x1] =	wrdreg $0xFFFFFFFF  }
0xbe: {  	_ =	task.clear_ibuf [dreg:s4], $0x2FFFF;
	_ =	strace $0x9FFFFFFF  }
0xbf: {  	(tm) =	ssettm $0x7FFFFFFF  }
tec
execute0_lowered:
.L_overlay_start_1:
0x0: {  	(tag) =	ssettag $0x1  }
0x1: {  	s3 =	rddreg [dreg:$0x0]  }
0x2: {  	s0 =	rddreg [dreg:$0x1];
	s2 =	simm.s32 $0x0;
	s1 =	stileid.u32  }
0x3: {  	[smem:$0x7FF] =	sst s2;
	s12 =	sadd.s32 $0x1A00, s3;
	s6 =	sshll.u32 s1, $0x3  }
0x4: {  	_ =	strace $0x80000047;
	s5 =	sadd.s32 s12, s6;
	s4 =	sor.u32 $0x80, s6  }
0x5: {  	[tilespmem:s2], [sflag:$0x1] =	stream.linear.gather [hbm4b:s5+s2], $0x40, $0x38;
	[tilespmem:$0x800] =	vst v63  }
0x6: {  	s8 =	simm.s32 $0x80;
	s20 =	sor.u32 $0x100, s6;
	s7 =	sadd.s32 s12, s4  }
0x7: {  	[tilespmem:s8], [sflag:$0x1] =	stream.linear.gather [hbm4b:s7+s2], $0x40, $0x38;
	[tilespmem:$0x800] =	vst v63  }
0x8: {  	s9 =	simm.s32 $0x100;
	s22 =	sor.u32 $0x180, s6;
	s21 =	sadd.s32 s12, s20  }
0x9: {  	[tilespmem:s9], [sflag:$0x1] =	stream.linear.gather [hbm4b:s21+s2], $0x40, $0x38;
	[tilespmem:$0x800] =	vst v63  }
0xa: {  	s10 =	simm.s32 $0x180;
	s24 =	sor.u32 $0x200, s6;
	s23 =	sadd.s32 s12, s22  }
0xb: {  	[tilespmem:s10], [sflag:$0x1] =	stream.linear.gather [hbm4b:s23+s2], $0x40, $0x38;
	[tilespmem:$0x800] =	vst v63  }
0xc: {  	s11 =	simm.s32 $0x200;
	s26 =	sor.u32 $0x280, s6;
	s25 =	sadd.s32 s12, s24  }
0xd: {  	[tilespmem:s11], [sflag:$0x1] =	stream.linear.gather [hbm4b:s25+s2], $0x40, $0x38;
	[tilespmem:$0x800] =	vst v63  }
0xe: {  	s13 =	simm.s32 $0x280;
	s29 =	sor.u32 $0x300, s6;
	s28 =	sadd.s32 s12, s26  }
0xf: {  	[tilespmem:s13], [sflag:$0x1] =	stream.linear.gather [hbm4b:s28+s2], $0x40, $0x38;
	[tilespmem:$0x800] =	vst v63  }
0x10: {  	s14 =	simm.s32 $0x300;
	s31 =	sor.u32 $0x380, s6;
	s30 =	sadd.s32 s12, s29  }
0x11: {  	[tilespmem:s14], [sflag:$0x1] =	stream.linear.gather [hbm4b:s30+s2], $0x40, $0x38;
	[tilespmem:$0x800] =	vst v63  }
0x12: {  	s15 =	simm.s32 $0x380;
	s16 =	simm.s32 $0x1;
	s12 =	sadd.s32 s12, s31  }
0x13: {  	[tilespmem:s15], [sflag:$0x1] =	stream.linear.gather [hbm4b:s12+s2], $0x40, $0x38;
	[tilespmem:$0x800] =	vst v63  }
0x14: {  	_ =	swait.ge [sflag:s16], $0x40  }
0x15: {  	[sflag:s16] =	ssyncset.done $0x0  }
0x16: {  	[sflag:s16] =	ssyncadd.s32 $0xFFFFFFC0  }
0x17: {  	_ =	swait.ge [sflag:s16], $0x40  }
0x18: {  	[sflag:s16] =	ssyncset.done $0x0  }
0x19: {  	[sflag:s16] =	ssyncadd.s32 $0xFFFFFFC0  }
0x1a: {  	_ =	swait.ge [sflag:s16], $0x40  }
0x1b: {  	[sflag:s16] =	ssyncset.done $0x0  }
0x1c: {  	[sflag:s16] =	ssyncadd.s32 $0xFFFFFFC0  }
0x1d: {  	_ =	swait.ge [sflag:s16], $0x40  }
0x1e: {  	[sflag:s16] =	ssyncset.done $0x0  }
0x1f: {  	[sflag:s16] =	ssyncadd.s32 $0xFFFFFFC0  }
0x20: {  	_ =	swait.ge [sflag:s16], $0x40  }
0x21: {  	[sflag:s16] =	ssyncset.done $0x0  }
0x22: {  	[sflag:s16] =	ssyncadd.s32 $0xFFFFFFC0  }
0x23: {  	_ =	swait.ge [sflag:s16], $0x40  }
0x24: {  	[sflag:s16] =	ssyncset.done $0x0  }
0x25: {  	[sflag:s16] =	ssyncadd.s32 $0xFFFFFFC0  }
0x26: {  	_ =	swait.ge [sflag:s16], $0x40  }
0x27: {  	[sflag:s16] =	ssyncset.done $0x0  }
0x28: {  	[sflag:s16] =	ssyncadd.s32 $0xFFFFFFC0  }
0x29: {  	_ =	swait.ge [sflag:s16], $0x40  }
0x2a: {  	[sflag:s16] =	ssyncset.done $0x0  }
0x2b: {  	[sflag:s16] =	ssyncadd.s32 $0xFFFFFFC0  }
0x2c: {  	v1 =	vld [tilespmem:$0x0]  }
0x2d: {  	v2 =	vld [tilespmem:$0x80]  }
0x2e: {  	v3 =	vld [tilespmem:$0x100]  }
0x2f: {  	v4 =	vld [tilespmem:$0x180]  }
0x30: {  	v5 =	vld [tilespmem:$0x200]  }
0x31: {  	v6 =	vld [tilespmem:$0x280]  }
0x32: {  	v7 =	vld [tilespmem:$0x300];
	v0 =	vmax.f32 v1, v2  }
0x33: {  	v9 =	vld [tilespmem:$0x380];
	v0 =	vmax.f32 v0, v3  }
0x34: {  	v47 =	vld [tilespmem:$0x10];
	v0 =	vmax.f32 v0, v4  }
0x35: {  	v49 =	vld [tilespmem:$0x90];
	v0 =	vmax.f32 v0, v5  }
0x36: {  	v35 =	vld [tilespmem:$0x20];
	v0 =	vmax.f32 v0, v6  }
0x37: {  	v36 =	vld [tilespmem:$0xA0];
	v0 =	vmax.f32 v0, v7  }
0x38: {  	v8 =	vmax.f32 v0, v9  }
0x39: {  	v0 =	vimm.s32 $0x8;
	vm0 =	veq.f32 v9, v8  }
0x3a: {  	v50 =	vld [tilespmem:$0x110];
	vm6 =	veq.f32 v7, v8;
	v10 =	vsel vm0, $0x7, v0  }
0x3b: {  	v54 =	vmax.f32 v47, v49;
	vm7 =	veq.f32 v6, v8;
	v10 =	vsel vm6, $0x6, v10  }
0x3c: {  	v42 =	vmax.f32 v35, v36;
	vm8 =	veq.f32 v5, v8;
	v10 =	vsel vm7, $0x5, v10  }
0x3d: {  	vm9 =	veq.f32 v4, v8;
	vm10 =	veq.f32 v3, v8;
	v10 =	vsel vm8, $0x4, v10  }
0x3e: {  	vm11 =	veq.f32 v2, v8;
	vm7 =	vne.f32 v1, v8;
	v10 =	vsel vm9, $0x3, v10  }
0x3f: {  	v55 =	vmax.f32 v54, v50;
	vm6 =	vmand vm7, vm11;
	v10 =	vsel vm10, $0x2, v10  }
0x40: {  	v1 =	vnsel vm7, $0xBF800000, v1;
	v56 =	vsel vm7, $0x0, v8;
	v10 =	vsel vm11, $0x1, v10  }
0x41: {  	v2 =	vsel vm6, $0xBF800000, v2;
	v15 =	vnsel vm6, $0x0, v8;
	v10 =	vnsel vm7, $0x0, v10  }
0x42: {  	v11 =	vmax.f32 v1, v2;
	vm5 =	veq.s32 v10, $0x2;
	vm4 =	veq.s32 v10, $0x3  }
0x43: {  	vm3 =	veq.s32 v10, $0x4;
	vm1 =	veq.s32 v10, $0x5;
	v3 =	vsel vm5, $0xBF800000, v3  }
0x44: {  	vm2 =	veq.s32 v10, $0x6;
	v4 =	vsel vm4, $0xBF800000, v4;
	v11 =	vmax.f32 v11, v3  }
0x45: {  	v37 =	vld [tilespmem:$0x120];
	vm0 =	veq.s32 v10, $0x7;
	v5 =	vsel vm3, $0xBF800000, v5;
	v11 =	vmax.f32 v11, v4  }
0x46: {  	v6 =	vsel vm1, $0xBF800000, v6;
	v7 =	vsel vm2, $0xBF800000, v7;
	v11 =	vmax.f32 v11, v5  }
0x47: {  	v9 =	vsel vm0, $0xBF800000, v9;
	v59 =	vnsel vm5, $0x0, v8;
	v45 =	vmax.f32 v11, v6  }
0x48: {  	v51 =	vld [tilespmem:$0x190];
	v61 =	vnsel vm4, $0x0, v8;
	v20 =	vnsel vm3, $0x0, v8;
	v10 =	vmax.f32 v45, v7  }
0x49: {  	v52 =	vld [tilespmem:$0x210];
	v22 =	vnsel vm1, $0x0, v8;
	v33 =	vnsel vm2, $0x0, v8;
	v46 =	vmax.f32 v10, v9  }
0x4a: {  	v53 =	vld [tilespmem:$0x290];
	v8 =	vnsel vm0, $0x0, v8;
	v45 =	vmax.f32 v42, v37;
	vm8 =	veq.f32 v9, v46  }
0x4b: {  	vm12 =	veq.f32 v7, v46;
	vm13 =	veq.f32 v6, v46;
	v48 =	vsel vm8, $0x7, v0  }
0x4c: {  	v12 =	vld [tilespmem:$0x310];
	vm14 =	veq.f32 v5, v46;
	vm15 =	veq.f32 v4, v46;
	v10 =	vsel vm12, $0x6, v48  }
0x4d: {  	v13 =	vld [tilespmem:$0x390];
	vm9 =	vne.f32 v1, v46;
	v1 =	vmax.f32 v55, v51;
	v10 =	vsel vm13, $0x5, v10  }
0x4e: {  	v57 =	vsel vm9, $0x0, v46;
	v1 =	vmax.f32 v1, v52;
	v10 =	vsel vm14, $0x4, v10  }
0x4f: {  	vm12 =	veq.f32 v3, v46;
	v17 =	vmax.f32 v1, v53;
	v10 =	vsel vm15, $0x3, v10  }
0x50: {  	vm13 =	veq.f32 v2, v46;
	v2 =	vadd.f32 v57, v56;
	v10 =	vsel vm12, $0x2, v10  }
0x51: {  	v58 =	vmax.f32 v17, v12;
	vm14 =	vmand vm9, vm13;
	v10 =	vsel vm13, $0x1, v10  }
0x52: {  	v16 =	vnsel vm14, $0x0, v46;
	v14 =	vnsel vm9, $0x0, v10;
	v10 =	vmax.f32 v58, v13  }
0x53: {  	v1 =	vadd.f32 v16, v15;
	vm15 =	veq.s32 v14, $0x2;
	vm8 =	veq.f32 v13, v10  }
0x54: {  	vm9 =	veq.s32 v14, $0x3;
	vm10 =	veq.f32 v12, v10;
	vm11 =	veq.f32 v53, v10  }
0x55: {  	vm12 =	veq.f32 v52, v10;
	vm13 =	veq.s32 v14, $0x4;
	vm14 =	veq.f32 v51, v10  }
0x56: {  	vm6 =	veq.f32 v49, v10;
	vm7 =	veq.s32 v14, $0x5;
	v60 =	vnsel vm15, $0x0, v46  }
0x57: {  	v18 =	vsel vm8, $0x7, v0;
	v19 =	vnsel vm9, $0x0, v46;
	v21 =	vnsel vm13, $0x0, v46  }
0x58: {  	vm15 =	veq.f32 v50, v10;
	vm9 =	vne.f32 v47, v10;
	v18 =	vsel vm10, $0x6, v18  }
0x59: {  	v23 =	vnsel vm7, $0x0, v46;
	vm8 =	vmand vm9, vm6;
	v18 =	vsel vm11, $0x5, v18  }
0x5a: {  	v9 =	vnsel vm9, $0xBF800000, v47;
	v3 =	vadd.f32 v60, v59;
	v18 =	vsel vm12, $0x4, v18  }
0x5b: {  	v7 =	vadd.f32 v19, v61;
	v5 =	vadd.f32 v23, v22;
	v18 =	vsel vm14, $0x3, v18  }
0x5c: {  	v24 =	vsel vm8, $0xBF800000, v49;
	v48 =	vnsel vm8, $0x0, v10;
	v18 =	vsel vm15, $0x2, v18  }
0x5d: {  	v62 =	vmax.f32 v9, v24;
	vm12 =	veq.s32 v14, $0x6;
	v18 =	vsel vm6, $0x1, v18  }
0x5e: {  	v34 =	vnsel vm12, $0x0, v46;
	vm12 =	veq.s32 v14, $0x7;
	v18 =	vnsel vm9, $0x0, v18  }
0x5f: {  	v6 =	vadd.f32 v34, v33;
	v11 =	vnsel vm12, $0x0, v46;
	vm7 =	veq.s32 v18, $0x2  }
0x60: {  	v46 =	vsel vm9, $0x0, v10;
	vm6 =	veq.s32 v18, $0x3;
	v25 =	vsel vm7, $0xBF800000, v50  }
0x61: {  	vm5 =	veq.s32 v18, $0x4;
	v26 =	vsel vm6, $0xBF800000, v51;
	v63 =	vmax.f32 v62, v25  }
0x62: {  	vm4 =	veq.s32 v18, $0x5;
	v27 =	vsel vm5, $0xBF800000, v52;
	v28 =	vmax.f32 v63, v26  }
0x63: {  	vm3 =	veq.s32 v18, $0x6;
	v29 =	vsel vm4, $0xBF800000, v53;
	v30 =	vmax.f32 v28, v27  }
0x64: {  	vm1 =	veq.s32 v18, $0x7;
	v31 =	vsel vm3, $0xBF800000, v12;
	v4 =	vmax.f32 v30, v29  }
0x65: {  	v32 =	vsel vm1, $0xBF800000, v13;
	v50 =	vnsel vm7, $0x0, v10;
	v4 =	vmax.f32 v4, v31  }
0x66: {  	v52 =	vnsel vm6, $0x0, v10;
	v55 =	vnsel vm5, $0x0, v10;
	v15 =	vmax.f32 v4, v32  }
0x67: {  	v38 =	vld [tilespmem:$0x1A0];
	v57 =	vnsel vm3, $0x0, v10;
	v4 =	vadd.f32 v21, v20;
	vm13 =	veq.f32 v32, v15  }
0x68: {  	v39 =	vld [tilespmem:$0x220];
	vm14 =	veq.f32 v31, v15;
	vm15 =	veq.f32 v29, v15;
	vm10 =	veq.f32 v27, v15  }
0x69: {  	v40 =	vld [tilespmem:$0x2A0];
	vm11 =	veq.f32 v26, v15;
	v29 =	vnsel vm4, $0x0, v10;
	v12 =	vsel vm13, $0x7, v0  }
0x6a: {  	v41 =	vld [tilespmem:$0x320];
	v10 =	vnsel vm1, $0x0, v10;
	vm13 =	veq.f32 v25, v15;
	v12 =	vsel vm14, $0x6, v12  }
0x6b: {  	v44 =	vld [tilespmem:$0x3A0];
	vm14 =	veq.f32 v24, v15;
	v12 =	vsel vm15, $0x5, v12;
	vm15 =	vne.f32 v9, v15  }
0x6c: {  	v9 =	vadd.f32 v11, v8;
	v8 =	vmax.f32 v45, v38;
	v12 =	vsel vm10, $0x4, v12  }
0x6d: {  	v47 =	vsel vm15, $0x0, v15;
	v8 =	vmax.f32 v8, v39;
	v12 =	vsel vm11, $0x3, v12  }
0x6e: {  	vm0 =	vmand vm15, vm14;
	v8 =	vmax.f32 v8, v40;
	v12 =	vsel vm13, $0x2, v12  }
0x6f: {  	v11 =	vadd.f32 v47, v46;
	v8 =	vmax.f32 v8, v41;
	v12 =	vsel vm14, $0x1, v12  }
0x70: {  	v49 =	vnsel vm0, $0x0, v15;
	v8 =	vmax.f32 v8, v44;
	v43 =	vnsel vm15, $0x0, v12  }
0x71: {  	v12 =	vadd.f32 v49, v48;
	vm9 =	veq.f32 v44, v8;
	vm11 =	veq.f32 v41, v8  }
0x72: {  	vm12 =	veq.f32 v40, v8;
	vm13 =	veq.f32 v39, v8;
	vm15 =	veq.f32 v38, v8  }
0x73: {  	vm5 =	veq.f32 v37, v8;
	vm6 =	veq.f32 v36, v8;
	vm8 =	veq.s32 v43, $0x2  }
0x74: {  	vm10 =	veq.s32 v43, $0x3;
	v53 =	vsel vm9, $0x7, v0;
	vm14 =	veq.s32 v43, $0x4  }
0x75: {  	vm7 =	veq.s32 v43, $0x5;
	vm9 =	vne.f32 v35, v8;
	v51 =	vnsel vm8, $0x0, v15  }
0x76: {  	v54 =	vnsel vm10, $0x0, v15;
	v25 =	vsel vm11, $0x6, v53;
	v28 =	vnsel vm14, $0x0, v15  }
0x77: {  	v30 =	vnsel vm7, $0x0, v15;
	vm8 =	vmand vm9, vm6;
	v25 =	vsel vm12, $0x5, v25  }
0x78: {  	v17 =	vnsel vm9, $0xBF800000, v35;
	vm11 =	veq.s32 v43, $0x6;
	v25 =	vsel vm13, $0x4, v25  }
0x79: {  	vm10 =	veq.s32 v43, $0x7;
	v42 =	vsel vm9, $0x0, v8;
	v25 =	vsel vm15, $0x3, v25  }
0x7a: {  	v13 =	vadd.f32 v51, v50;
	v18 =	vsel vm8, $0xBF800000, v36;
	v25 =	vsel vm5, $0x2, v25  }
0x7b: {  	v24 =	vadd.f32 v54, v52;
	v26 =	vadd.f32 v28, v55;
	v25 =	vsel vm6, $0x1, v25  }
0x7c: {  	v58 =	vnsel vm11, $0x0, v15;
	v15 =	vnsel vm10, $0x0, v15;
	v25 =	vnsel vm9, $0x0, v25  }
0x7d: {  	v47 =	vnsel vm8, $0x0, v8;
	v31 =	vmax.f32 v17, v18;
	vm7 =	veq.s32 v25, $0x2  }
0x7e: {  	v60 =	vld [tilespmem:$0x30];
	v15 =	vadd.f32 v15, v10;
	vm6 =	veq.s32 v25, $0x3;
	v16 =	vsel vm7, $0xBF800000, v37  }
0x7f: {  	v62 =	vld [tilespmem:$0xB0];
	vm5 =	veq.s32 v25, $0x4;
	v19 =	vsel vm6, $0xBF800000, v38;
	v31 =	vmax.f32 v31, v16  }
0x80: {  	vm4 =	veq.s32 v25, $0x5;
	v32 =	vsel vm5, $0xBF800000, v39;
	v56 =	vmax.f32 v31, v19  }
0x81: {  	vm2 =	veq.s32 v25, $0x6;
	v20 =	vsel vm4, $0xBF800000, v40;
	v14 =	vmax.f32 v56, v32  }
0x82: {  	vm0 =	veq.s32 v25, $0x7;
	v21 =	vsel vm2, $0xBF800000, v41;
	v14 =	vmax.f32 v14, v20  }
0x83: {  	v25 =	vadd.f32 v58, v57;
	v23 =	vsel vm0, $0xBF800000, v44;
	v14 =	vmax.f32 v14, v21  }
0x84: {  	v41 =	vmax.f32 v60, v62;
	v49 =	vnsel vm7, $0x0, v8;
	v14 =	vmax.f32 v14, v23  }
0x85: {  	v51 =	vnsel vm6, $0x0, v8;
	v54 =	vnsel vm5, $0x0, v8;
	vm12 =	veq.f32 v23, v14  }
0x86: {  	v63 =	vld [tilespmem:$0x130];
	v55 =	vnsel vm4, $0x0, v8;
	vm13 =	veq.f32 v21, v14;
	v59 =	vsel vm12, $0x7, v0  }
0x87: {  	v36 =	vld [tilespmem:$0x1B0];
	v23 =	vadd.f32 v30, v29;
	vm14 =	veq.f32 v20, v14;
	v61 =	vsel vm13, $0x6, v59  }
0x88: {  	v37 =	vld [tilespmem:$0x230];
	vm15 =	veq.f32 v32, v14;
	vm11 =	veq.f32 v19, v14;
	v27 =	vsel vm14, $0x5, v61  }
0x89: {  	v39 =	vld [tilespmem:$0x2B0];
	vm12 =	veq.f32 v16, v14;
	vm14 =	vne.f32 v17, v14;
	v35 =	vsel vm15, $0x4, v27  }
0x8a: {  	v40 =	vld [tilespmem:$0x330];
	vm13 =	veq.f32 v18, v14;
	v43 =	vsel vm14, $0x0, v14;
	v22 =	vsel vm11, $0x3, v35  }
0x8b: {  	v44 =	vld [tilespmem:$0x3B0];
	vm1 =	vmand vm14, vm13;
	v38 =	vsel vm12, $0x2, v22;
	v22 =	vmax.f32 v41, v63  }
0x8c: {  	v27 =	vadd.f32 v43, v42;
	v10 =	vsel vm13, $0x1, v38;
	v46 =	vmax.f32 v22, v36  }
0x8d: {  	v48 =	vnsel vm1, $0x0, v14;
	v45 =	vnsel vm14, $0x0, v10;
	v10 =	vmax.f32 v46, v37  }
0x8e: {  	v22 =	vadd.f32 v48, v47;
	v38 =	vnsel vm2, $0x0, v8;
	v10 =	vmax.f32 v10, v39  }
0x8f: {  	vm15 =	veq.s32 v45, $0x2;
	vm7 =	veq.s32 v45, $0x3;
	v10 =	vmax.f32 v10, v40  }
0x90: {  	vm12 =	veq.s32 v45, $0x4;
	v33 =	vnsel vm15, $0x0, v14;
	v10 =	vmax.f32 v10, v44  }
0x91: {  	v52 =	vnsel vm7, $0x0, v14;
	v35 =	vnsel vm12, $0x0, v14;
	vm8 =	veq.f32 v44, v10  }
0x92: {  	vm12 =	veq.s32 v45, $0x5;
	vm9 =	veq.f32 v40, v10;
	v34 =	vsel vm8, $0x7, v0  }
0x93: {  	v50 =	vadd.f32 v33, v49;
	vm10 =	veq.f32 v39, v10;
	v53 =	vsel vm9, $0x6, v34  }
0x94: {  	v32 =	vadd.f32 v52, v51;
	vm11 =	veq.f32 v37, v10;
	v33 =	vsel vm10, $0x5, v53  }
0x95: {  	[tilespmem:$0x400] =	vst v2;
	v57 =	vnsel vm12, $0x0, v14;
	vm13 =	veq.f32 v36, v10;
	v33 =	vsel vm11, $0x4, v33  }
0x96: {  	[tilespmem:$0x480] =	vst v1;
	vm14 =	veq.f32 v63, v10;
	vm15 =	veq.f32 v62, v10;
	v33 =	vsel vm13, $0x3, v33  }
0x97: {  	[tilespmem:$0x500] =	vst v3;
	v2 =	vadd.f32 v57, v55;
	vm8 =	vne.f32 v60, v10;
	v33 =	vsel vm14, $0x2, v33  }
0x98: {  	[tilespmem:$0x580] =	vst v7;
	vm9 =	vmand vm8, vm15;
	v58 =	vnsel vm8, $0xBF800000, v60;
	v56 =	vsel vm15, $0x1, v33  }
0x99: {  	[tilespmem:$0x680] =	vst v5;
	v42 =	vsel vm8, $0x0, v10;
	v20 =	vsel vm9, $0xBF800000, v62;
	v1 =	vnsel vm8, $0x0, v56  }
0x9a: {  	[tilespmem:$0x700] =	vst v6;
	v21 =	vmax.f32 v58, v20;
	vm11 =	veq.s32 v45, $0x7;
	vm7 =	veq.s32 v1, $0x2  }
0x9b: {  	[tilespmem:$0x600] =	vst v4;
	vm13 =	veq.s32 v45, $0x6;
	vm6 =	veq.s32 v1, $0x3;
	v59 =	vsel vm7, $0xBF800000, v63  }
0x9c: {  	[tilespmem:$0x780] =	vst v9;
	vm5 =	veq.s32 v1, $0x4;
	v60 =	vsel vm6, $0xBF800000, v36;
	v61 =	vmax.f32 v21, v59  }
0x9d: {  	[tilespmem:$0x410] =	vst v11;
	vm4 =	veq.s32 v1, $0x5;
	v62 =	vsel vm5, $0xBF800000, v37;
	v63 =	vmax.f32 v61, v60  }
0x9e: {  	[tilespmem:$0x490] =	vst v12;
	vm3 =	veq.s32 v1, $0x6;
	v21 =	vsel vm4, $0xBF800000, v39;
	v16 =	vmax.f32 v63, v62  }
0x9f: {  	[tilespmem:$0x510] =	vst v13;
	vm1 =	veq.s32 v1, $0x7;
	v28 =	vsel vm3, $0xBF800000, v40;
	v33 =	vmax.f32 v16, v21  }
0xa0: {  	[tilespmem:$0x590] =	vst v24;
	v41 =	vnsel vm11, $0x0, v14;
	v37 =	vsel vm1, $0xBF800000, v44;
	v11 =	vmax.f32 v33, v28  }
0xa1: {  	[tilespmem:$0x610] =	vst v26;
	v36 =	vadd.f32 v35, v54;
	v40 =	vnsel vm0, $0x0, v8;
	v11 =	vmax.f32 v11, v37  }
0xa2: {  	[tilespmem:$0x790] =	vst v15;
	v44 =	vnsel vm9, $0x0, v10;
	v47 =	vnsel vm7, $0x0, v10;
	vm14 =	veq.f32 v37, v11  }
0xa3: {  	[tilespmem:$0x710] =	vst v25;
	v49 =	vnsel vm6, $0x0, v10;
	vm15 =	veq.f32 v28, v11;
	v0 =	vsel vm14, $0x7, v0  }
0xa4: {  	[tilespmem:$0x690] =	vst v23;
	v53 =	vnsel vm5, $0x0, v10;
	vm10 =	veq.f32 v21, v11;
	v0 =	vsel vm15, $0x6, v0  }
0xa5: {  	[tilespmem:$0x420] =	vst v27;
	v55 =	vnsel vm4, $0x0, v10;
	vm12 =	veq.f32 v62, v11;
	v0 =	vsel vm10, $0x5, v0  }
0xa6: {  	[tilespmem:$0x4A0] =	vst v22;
	v39 =	vnsel vm13, $0x0, v14;
	vm13 =	veq.f32 v60, v11;
	v0 =	vsel vm12, $0x4, v0  }
0xa7: {  	[tilespmem:$0x520] =	vst v50;
	v1 =	vadd.f32 v41, v40;
	vm14 =	veq.f32 v59, v11;
	v0 =	vsel vm13, $0x3, v0  }
0xa8: {  	[tilespmem:$0x5A0] =	vst v32;
	v3 =	vadd.f32 v39, v38;
	vm15 =	veq.f32 v20, v11;
	v0 =	vsel vm14, $0x2, v0  }
0xa9: {  	[tilespmem:$0x6A0] =	vst v2;
	v59 =	vnsel vm3, $0x0, v10;
	vm10 =	vne.f32 v58, v11;
	v0 =	vsel vm15, $0x1, v0  }
0xaa: {  	[tilespmem:$0x620] =	vst v36;
	vm0 =	vmand vm10, vm15;
	v43 =	vsel vm10, $0x0, v11;
	v0 =	vnsel vm10, $0x0, v0  }
0xab: {  	[tilespmem:$0x7A0] =	vst v1;
	v45 =	vnsel vm0, $0x0, v11;
	v4 =	vadd.f32 v43, v42;
	vm11 =	veq.s32 v0, $0x2  }
0xac: {  	[tilespmem:$0x720] =	vst v3;
	v46 =	vadd.f32 v45, v44;
	vm2 =	veq.s32 v0, $0x3;
	v48 =	vnsel vm11, $0x0, v11  }
0xad: {  	[tilespmem:$0x430] =	vst v4;
	vm12 =	veq.s32 v0, $0x4;
	v50 =	vnsel vm2, $0x0, v11;
	v51 =	vadd.f32 v48, v47  }
0xae: {  	[tilespmem:$0x4B0] =	vst v46;
	vm13 =	veq.s32 v0, $0x5;
	v54 =	vnsel vm12, $0x0, v11;
	v52 =	vadd.f32 v50, v49  }
0xaf: {  	vm14 =	veq.s32 v0, $0x6;
	v56 =	vnsel vm13, $0x0, v11;
	v57 =	vadd.f32 v54, v53;
	[tilespmem:$0x530] =	vst v51  }
0xb0: {  	vm15 =	veq.s32 v0, $0x7;
	v60 =	vnsel vm14, $0x0, v11;
	v58 =	vadd.f32 v56, v55;
	[tilespmem:$0x5B0] =	vst v52  }
0xb1: {  	v62 =	vnsel vm1, $0x0, v10;
	v63 =	vnsel vm15, $0x0, v11;
	v61 =	vadd.f32 v60, v59;
	[tilespmem:$0x630] =	vst v57  }
0xb2: {  	v1 =	vadd.f32 v63, v62;
	[tilespmem:$0x6B0] =	vst v58  }
0xb3: {  	s3 =	sadd.s32 $0x1E00, s3;
	[tilespmem:$0x730] =	vst v61  }
0xb4: {  	s17 =	simm.s32 $0x400;
	s6 =	sadd.s32 s3, s6;
	[tilespmem:$0x7B0] =	vst v1  }
0xb5: {  	[hbm4b:s6+s2] =	stream.linear.scatter [tilespmem:s17], [sflag:$0x2], $0x40, $0x38;
	[tilespmem:$0x800] =	vst v63  }
0xb6: {  	s18 =	simm.s32 $0x480;
	s4 =	sadd.s32 s3, s4  }
0xb7: {  	[hbm4b:s4+s2] =	stream.linear.scatter [tilespmem:s18], [sflag:$0x2], $0x40, $0x38;
	[tilespmem:$0x800] =	vst v63  }
0xb8: {  	s19 =	sadd.s32 s3, s20;
	s20 =	simm.s32 $0x500  }
0xb9: {  	[hbm4b:s19+s2] =	stream.linear.scatter [tilespmem:s20], [sflag:$0x2], $0x40, $0x38;
	[tilespmem:$0x800] =	vst v63  }
0xba: {  	s21 =	sadd.s32 s3, s22;
	s22 =	simm.s32 $0x580  }
0xbb: {  	[hbm4b:s21+s2] =	stream.linear.scatter [tilespmem:s22], [sflag:$0x2], $0x40, $0x38;
	[tilespmem:$0x800] =	vst v63  }
0xbc: {  	s23 =	sadd.s32 s3, s24;
	s24 =	simm.s32 $0x600  }
0xbd: {  	[hbm4b:s23+s2] =	stream.linear.scatter [tilespmem:s24], [sflag:$0x2], $0x40, $0x38;
	[tilespmem:$0x800] =	vst v63  }
0xbe: {  	s25 =	sadd.s32 s3, s26;
	s26 =	simm.s32 $0x680  }
0xbf: {  	[hbm4b:s25+s2] =	stream.linear.scatter [tilespmem:s26], [sflag:$0x2], $0x40, $0x38;
	[tilespmem:$0x800] =	vst v63  }
0xc0: {  	s28 =	sadd.s32 s3, s29;
	s29 =	simm.s32 $0x700  }
0xc1: {  	[hbm4b:s28+s2] =	stream.linear.scatter [tilespmem:s29], [sflag:$0x2], $0x40, $0x38;
	[tilespmem:$0x800] =	vst v63  }
0xc2: {  	s3 =	sadd.s32 s3, s31;
	s31 =	simm.s32 $0x2;
	s30 =	simm.s32 $0x780  }
0xc3: {  	[hbm4b:s3+s2] =	stream.linear.scatter [tilespmem:s30], [sflag:$0x2], $0x40, $0x38;
	[tilespmem:$0x800] =	vst v63  }
0xc4: {  	_ =	swait.ge [sflag:s31], $0x40  }
0xc5: {  	[sflag:s31] =	ssyncset.done $0x0  }
0xc6: {  	[sflag:s31] =	ssyncadd.s32 $0xFFFFFFC0  }
0xc7: {  	_ =	swait.ge [sflag:s31], $0x40  }
0xc8: {  	[sflag:s31] =	ssyncset.done $0x0  }
0xc9: {  	[sflag:s31] =	ssyncadd.s32 $0xFFFFFFC0  }
0xca: {  	_ =	swait.ge [sflag:s31], $0x40  }
0xcb: {  	[sflag:s31] =	ssyncset.done $0x0  }
0xcc: {  	[sflag:s31] =	ssyncadd.s32 $0xFFFFFFC0  }
0xcd: {  	_ =	swait.ge [sflag:s31], $0x40  }
0xce: {  	[sflag:s31] =	ssyncset.done $0x0  }
0xcf: {  	[sflag:s31] =	ssyncadd.s32 $0xFFFFFFC0  }
0xd0: {  	_ =	swait.ge [sflag:s31], $0x40  }
0xd1: {  	[sflag:s31] =	ssyncset.done $0x0  }
0xd2: {  	[sflag:s31] =	ssyncadd.s32 $0xFFFFFFC0  }
0xd3: {  	_ =	swait.ge [sflag:s31], $0x40  }
0xd4: {  	[sflag:s31] =	ssyncset.done $0x0  }
0xd5: {  	[sflag:s31] =	ssyncadd.s32 $0xFFFFFFC0  }
0xd6: {  	_ =	swait.ge [sflag:s31], $0x40  }
0xd7: {  	[sflag:s31] =	ssyncset.done $0x0  }
0xd8: {  	[sflag:s31] =	ssyncadd.s32 $0xFFFFFFC0  }
0xd9: {  	_ =	swait.ge [sflag:s31], $0x40  }
0xda: {  	[sflag:s31] =	ssyncset.done $0x0  }
0xdb: {  	[sflag:s31] =	ssyncadd.s32 $0xFFFFFFC0  }
0xdc: {  	_ =	sfence.sel $0x180000  }
0xdd: {  	[bflag:$0x0] =	sbarrier.arrive $0xFFFF  }
0xde: {  	p0 =	sne.s32 s1, $0x0;
	_ =	strace $0x90000047  }
0xdf: {  	s0 =	sadd.s32 @!p0 $0x100000, s0;
	[bflag:$0x2] =	sbarrier.arrive $0xFFFF  }
0xe0: {  	[sflag:s0] =	ssyncadd.tile.s32 @!p0 $0x1;
	_ =	shalt  }
.Lfunc_end2:
_tile_overlayer_lowered:
.L_overlay_start_2:
0xe1: {  	(tag) =	ssettag $0x2  }
0xe2: {  	s0 =	rddreg [dreg:$0x0];
	s2 =	stileid.u32  }
0xe3: {  	s1 =	rddreg [dreg:$0x1];
	p0 =	sne.s32 s2, $0x0  }
0xe4: {  	s3 =	rddreg [dreg:$0x2];
	[bflag:$0x3] =	sbarrier.arrive $0xFFFF;
	s2 =	simm.s32 @!p0 $0x1C03  }
0xe5: {  	[timem:s3], [sflag:s2] =	dma.local @!p0 [hbm:s0], s1  }
0xe6: {  	s0 =	simm.s32 @!p0 $0x3  }
0xe7: {  	_ =	swait.ge @!p0 [sflag:s0], s1  }
0xe8: {  	s1 =	ssub.s32 @!p0 $0x0, s1;
	[sflag:s0] =	ssyncset.done @!p0 $0x0  }
0xe9: {  	[sflag:s0] =	ssyncadd.s32 @!p0 s1  }
0xea: {  	[bflag:$0x3] =	sbarrier.arrive $0xFFFF  }
0xeb: {  	_ =	shalt  }

</sc_bundles>
